<compile_context>
chip_gen: v7x
topology: tpu7x:2x2x1
jax: 0.10.2.dev20260603
libtpu: 0.0.44.dev20260713+nightly
codegen_flags: <defaults>
</compile_context>

<pallas_src>
import functools

import jax
import jax.numpy as jnp
from jax import lax
from jax.experimental import pallas as pl
from jax.experimental.pallas import tpu as pltpu
from jax.experimental.pallas import tpu_sc as plsc

T = 2048
C = 768
FF = 3072
E = 64
TM = 64
TP = T + 512
NC = 2
NS = 16
NW = NC * NS
RW = T // NW
SW = 128


def _router_body(x_ref, rw_ref, pos_ref, s16_ref, meta_ref):
    x = x_ref[...]
    rw = rw_ref[...]
    logits = lax.dot_general(
        x, rw, (((1,), (1,)), ((), ())),
        preferred_element_type=jnp.float32)
    m = jnp.max(logits, axis=1, keepdims=True)
    ex = jnp.exp(logits - m)
    z = jnp.sum(ex, axis=1, keepdims=True)
    probs = ex / z
    p_top = jnp.max(probs, axis=1, keepdims=True)
    scale = p_top / (p_top + 1e-9)
    lanes = lax.broadcasted_iota(jnp.int32, (T, E), 1)
    eid = jnp.min(jnp.where(probs == p_top, lanes, E), axis=1, keepdims=True)
    onehot = (lanes == eid).astype(jnp.float32)

    r_i = lax.broadcasted_iota(jnp.int32, (T, T), 0)
    c_i = lax.broadcasted_iota(jnp.int32, (T, T), 1)
    tril = (c_i <= r_i).astype(jnp.bfloat16)
    ranks = lax.dot_general(
        tril, onehot.astype(jnp.bfloat16), (((1,), (0,)), ((), ())),
        preferred_element_type=jnp.float32)
    counts = ranks[T - 1:T, :]

    p8 = jnp.ceil(counts * 0.125) * 8.0
    e_r = lax.broadcasted_iota(jnp.int32, (E, E), 0)
    e_c = lax.broadcasted_iota(jnp.int32, (E, E), 1)
    stril = (e_r < e_c).astype(jnp.float32)
    starts8 = lax.dot_general(
        p8, stril, (((1,), (0,)), ((), ())),
        preferred_element_type=jnp.float32,
        precision=lax.Precision.HIGHEST)

    start_tok = jnp.sum(onehot * starts8, axis=1, keepdims=True)
    rank_tok = jnp.sum(onehot * ranks, axis=1, keepdims=True)
    pos_ref[...] = (start_tok + rank_tok - 1.0).astype(jnp.int32)
    s16_ref[...] = jnp.broadcast_to(scale, (T, SW))
    meta_ref[...] = jnp.concatenate([starts8, counts], axis=0).astype(jnp.int32)


def _router(xf, router_w):
    return pl.pallas_call(
        _router_body,
        out_shape=[
            jax.ShapeDtypeStruct((T, 1), jnp.int32),
            jax.ShapeDtypeStruct((T, SW), jnp.float32),
            jax.ShapeDtypeStruct((2, E), jnp.int32),
        ],
    )(xf, router_w)


@functools.cache
def _sc_kernels():
    mesh = plsc.VectorSubcoreMesh(core_axis_name="c", subcore_axis_name="s")

    @functools.partial(
        pl.kernel,
        mesh=mesh,
        out_type=[
            jax.ShapeDtypeStruct((TP, C), jnp.float32),
            jax.ShapeDtypeStruct((TP, SW), jnp.float32),
        ],
        scratch_types=[
            pltpu.VMEM((RW,), jnp.int32),
            pltpu.VMEM((RW, C), jnp.float32),
            pltpu.VMEM((RW, SW), jnp.float32),
            pltpu.SemaphoreType.DMA,
        ],
    )
    def _sc_scatter(x_hbm, pos_hbm, s16_hbm, xs_hbm, ss_hbm, idx_v, rows_v, s_v, sem):
        wid = lax.axis_index("s") * NC + lax.axis_index("c")
        base = wid * RW
        pltpu.sync_copy(pos_hbm.at[pl.ds(base, RW)], idx_v)
        pltpu.sync_copy(x_hbm.at[pl.ds(base, RW)], rows_v)
        pltpu.sync_copy(s16_hbm.at[pl.ds(base, RW)], s_v)
        pltpu.async_copy(rows_v, xs_hbm.at[idx_v], sem).wait()
        pltpu.async_copy(s_v, ss_hbm.at[idx_v], sem).wait()

    @functools.partial(
        pl.kernel,
        mesh=mesh,
        out_type=jax.ShapeDtypeStruct((T, C), jnp.float32),
        scratch_types=[
            pltpu.VMEM((RW,), jnp.int32),
            pltpu.VMEM((RW, C), jnp.float32),
            pltpu.SemaphoreType.DMA,
        ],
    )
    def _sc_gather(so_hbm, pos_hbm, out_hbm, idx_v, rows_v, sem):
        wid = lax.axis_index("s") * NC + lax.axis_index("c")
        base = wid * RW
        pltpu.sync_copy(pos_hbm.at[pl.ds(base, RW)], idx_v)
        pltpu.async_copy(so_hbm.at[idx_v], rows_v, sem).wait()
        pltpu.sync_copy(rows_v, out_hbm.at[pl.ds(base, RW)])

    return _sc_scatter, _sc_gather


def _mlp_body(meta_ref, xs_hbm, ss_ref, w1_ref, b1_ref, w2_ref, b2_ref,
              out_hbm, ibuf, obuf, isem, osem):
    e = pl.program_id(0)
    s = meta_ref[0, e]
    cnt = meta_ref[1, e]
    ntiles = (cnt + TM - 1) // TM
    w1 = w1_ref[0]
    w2 = w2_ref[0]
    b1 = b1_ref[0]
    b2 = b2_ref[0]

    def istart(start_row, slot):
        pltpu.make_async_copy(
            xs_hbm.at[pl.ds(start_row, TM)], ibuf.at[slot], isem.at[slot]).start()

    def iwait(slot):
        pltpu.make_async_copy(
            xs_hbm.at[pl.ds(0, TM)], ibuf.at[slot], isem.at[slot]).wait()

    def odrain(slot):
        pltpu.make_async_copy(
            obuf.at[slot], out_hbm.at[pl.ds(0, TM)], osem.at[slot]).wait()

    @pl.when(e == 0)
    def _():
        istart(pl.multiple_of(s, 8), 0)

    def tile(j, carry):
        base = pl.multiple_of(s + j * TM, 8)
        sl = pl.ds(base, TM)
        slot = lax.rem(j, 2)
        iwait(slot)

        @pl.when(j + 1 < ntiles)
        def _():
            istart(pl.multiple_of(s + (j + 1) * TM, 8), 1 - slot)

        @pl.when(j >= 2)
        def _():
            odrain(slot)

        rows = ibuf[slot]
        h = lax.dot_general(
            rows, w1, (((1,), (1,)), ((), ())),
            preferred_element_type=jnp.float32)
        h = h + b1
        g = 0.5 * h * (1.0 + lax.erf(h * 0.7071067811865476))
        o = lax.dot_general(
            g, w2, (((1,), (1,)), ((), ())),
            preferred_element_type=jnp.float32)
        obuf[slot] = (o + b2) * ss_ref[sl, 0:1]
        pltpu.make_async_copy(obuf.at[slot], out_hbm.at[sl], osem.at[slot]).start()
        return carry

    lax.fori_loop(0, ntiles, tile, 0)

    @pl.when(ntiles == 0)
    def _():
        iwait(0)

    @pl.when(ntiles >= 1)
    def _():
        odrain(lax.rem(ntiles - 1, 2))

    @pl.when(ntiles >= 2)
    def _():
        odrain(lax.rem(ntiles - 2, 2))

    @pl.when(e + 1 < E)
    def _():
        istart(pl.multiple_of(meta_ref[0, e + 1], 8), 0)


def _mlp(meta, xs, ss, w1, b1, w2, b2):
    return pl.pallas_call(
        _mlp_body,
        grid=(E,),
        in_specs=[
            pl.BlockSpec(memory_space=pltpu.SMEM),
            pl.BlockSpec(memory_space=pltpu.MemorySpace.HBM),
            pl.BlockSpec((TP, SW), lambda e: (0, 0)),
            pl.BlockSpec((1, FF, C), lambda e: (e, 0, 0)),
            pl.BlockSpec((1, 1, FF), lambda e: (e, 0, 0)),
            pl.BlockSpec((1, C, FF), lambda e: (e, 0, 0)),
            pl.BlockSpec((1, 1, C), lambda e: (e, 0, 0)),
        ],
        out_specs=pl.BlockSpec(memory_space=pltpu.MemorySpace.HBM),
        out_shape=jax.ShapeDtypeStruct((TP, C), jnp.float32),
        scratch_shapes=[
            pltpu.VMEM((2, TM, C), jnp.float32),
            pltpu.VMEM((2, TM, C), jnp.float32),
            pltpu.SemaphoreType.DMA((2,)),
            pltpu.SemaphoreType.DMA((2,)),
        ],
        compiler_params=pltpu.CompilerParams(
            dimension_semantics=("arbitrary",),
            vmem_limit_bytes=66_900_000),
    )(meta, xs, ss, w1, b1, w2, b2)


def kernel(x, router_w, w1, b1, w2, b2):
    Bn, Nn, Cn = x.shape
    xf = x.reshape(T, C)
    pos2, s16, meta = _router(xf, router_w)
    pos = pos2.reshape(T)
    sc_scatter, sc_gather = _sc_kernels()
    xs, ss = sc_scatter(xf, pos, s16)
    so = _mlp(meta, xs, ss,
              w1, b1.reshape(E, 1, FF), w2, b2.reshape(E, 1, C))
    out = sc_gather(so, pos)
    return out.reshape(Bn, Nn, Cn)

# --- scband reference (transcript-rebuilt; emitter-appended) ---
"""Pipeline reference for scband-mo-elayer-18519898980911 (READ-ONLY COPY).

The authoritative reference and input builder live on the scoring server;
editing this copy changes nothing except your own understanding.
"""

import jax, jax.numpy as jnp
import numpy as np

B, N, C = 1, 2048, 768
FF = 3072
E = 64
K = 1


def setup_inputs(seed: int = 0) -> dict:
    key = jax.random.key(seed)
    ks = jax.random.split(key, 4)
    x = jax.random.normal(ks[0], (B, N, C), dtype=jnp.float32)
    router_w = jax.random.normal(ks[1], (E, C), dtype=jnp.float32) * 0.02
    lim = float(np.sqrt(6.0 / (FF + C)))
    w1 = jax.random.uniform(ks[2], (E, FF, C), dtype=jnp.float32, minval=-lim, maxval=lim)
    b1 = jnp.zeros((E, FF), dtype=jnp.float32)
    w2 = jax.random.uniform(ks[3], (E, C, FF), dtype=jnp.float32, minval=-lim, maxval=lim)
    b2 = jnp.zeros((E, C), dtype=jnp.float32)
    return {"x": x, "router_w": router_w, "w1": w1, "b1": b1, "w2": w2, "b2": b2}


def reference(x, router_w, w1, b1, w2, b2):
    Bn, Nn, Cn = x.shape
    T = Bn * Nn
    # Router (eval mode: no noise)
    router_logits = jnp.einsum('bnc,ec->bne', x, router_w)
    router_probs = jax.nn.softmax(router_logits, axis=-1)
    expert_weights, expert_indices = jax.lax.top_k(router_probs, K)
    expert_weights = expert_weights / (expert_weights.sum(axis=-1, keepdims=True) + 1e-09)
    ew_flat = expert_weights.reshape(T, K)
    ei_flat = expert_indices.reshape(T, K)
    # Combine weights per (token, expert): scatter top-k weights into dense [T, E]
    combine = jnp.zeros((T, E), dtype=x.dtype).at[jnp.arange(T)[:, None], ei_flat].add(ew_flat)
    x_flat = x.reshape(T, Cn)
    output_flat = jnp.zeros_like(x_flat)
    for e in range(E):
        h = jax.nn.gelu(x_flat @ w1[e].T + b1[e], approximate=False)
        out_e = h @ w2[e].T + b2[e]
        output_flat = output_flat + combine[:, e:e + 1] * out_e
    return output_flat.reshape(Bn, Nn, Cn)

if __name__ == "__main__":
    import jax
    _d = setup_inputs()
    print(jax.jit(kernel)(*tuple(_d.values())))

</pallas_src>

<mosaic_0001>
#map = affine_map<(d0, d1) -> (0, 0)>
#map1 = affine_map<(d0, d1) -> (0)>
module attributes {stable_mosaic.version = 14 : i64} {
  func.func @_sc_scatter(%arg0: i32, %arg1: i32, %arg2: memref<2048x768xf32, #tpu.memory_space<hbm>>, %arg3: memref<2048xi32, #tpu.memory_space<hbm>>, %arg4: memref<2048x128xf32, #tpu.memory_space<hbm>>, %arg5: memref<2560x768xf32, #tpu.memory_space<hbm>>, %arg6: memref<2560x128xf32, #tpu.memory_space<hbm>>, %arg7: memref<64xi32, #tpu.memory_space<vmem>>, %arg8: memref<64x768xf32, #tpu.memory_space<vmem>>, %arg9: memref<64x128xf32, #tpu.memory_space<vmem>>, %arg10: memref<!tpu.dma_semaphore, #tpu.memory_space<semaphore_mem>>) attributes {dimension_semantics = [#tpu.dimension_semantics<core_parallel>, #tpu.dimension_semantics<subcore_parallel>], iteration_bounds = array<i64: 2, 16>, scalar_prefetch = 0 : i64, scratch_operands = 4 : i64, tpu.core_type = #tpu.core_type<sc_vector_subcore>, window_params = [{transform_indices = #map}, {transform_indices = #map1}, {transform_indices = #map}, {transform_indices = #map}, {transform_indices = #map}]} {
    %mul3A = arith.constant 2 : i32
    %mul3A_0 = arith.muli %arg1, %mul3A : i32
    %add3A = arith.addi %mul3A_0, %arg0 : i32
    %mul3A_1 = arith.constant 64 : i32
    %mul3A_2 = arith.muli %add3A, %mul3A_1 : i32
    "tpu.region"() ({
      %run_scoped3A = tpu.sem_alloc : memref<!tpu.dma_semaphore, #tpu.memory_space<semaphore_mem>>
      %dma_start3A_13 = tpu.memref_slice %arg3[%mul3A_2] : memref<2048xi32, #tpu.memory_space<hbm>> -> memref<64xi32, #tpu.memory_space<hbm>>
      %dma_start3A_14 = tpu.memref_slice %arg3[%mul3A_2] : memref<2048xi32, #tpu.memory_space<hbm>> -> memref<64xi32, #tpu.memory_space<hbm>>
      tpu.enqueue_dma source(%dma_start3A_14 : memref<64xi32, #tpu.memory_space<hbm>>) target(%arg7 : memref<64xi32, #tpu.memory_space<vmem>>) target_semaphore(%run_scoped3A : memref<!tpu.dma_semaphore, #tpu.memory_space<semaphore_mem>>)
      %dma_wait3A_15 = tpu.memref_slice %arg3[%mul3A_2] : memref<2048xi32, #tpu.memory_space<hbm>> -> memref<64xi32, #tpu.memory_space<hbm>>
      %dma_wait3A_16 = tpu.memref_slice %arg3[%mul3A_2] : memref<2048xi32, #tpu.memory_space<hbm>> -> memref<64xi32, #tpu.memory_space<hbm>>
      tpu.wait_dma2 semaphore(%run_scoped3A : memref<!tpu.dma_semaphore, #tpu.memory_space<semaphore_mem>>) src(%dma_wait3A_16 : memref<64xi32, #tpu.memory_space<hbm>>) dst(%arg7 : memref<64xi32, #tpu.memory_space<vmem>>)
      tpu.yield
    }) : () -> ()
    "tpu.region"() ({
      %run_scoped3A = tpu.sem_alloc : memref<!tpu.dma_semaphore, #tpu.memory_space<semaphore_mem>>
      %dma_start3A_13 = arith.constant 0 : i32
      %dma_start3A_14 = tpu.memref_slice %arg2[%mul3A_2, %dma_start3A_13] : memref<2048x768xf32, #tpu.memory_space<hbm>> -> memref<64x768xf32, #tpu.memory_space<hbm>>
      %dma_start3A_15 = arith.constant 0 : i32
      %dma_start3A_16 = tpu.memref_slice %arg2[%mul3A_2, %dma_start3A_15] : memref<2048x768xf32, #tpu.memory_space<hbm>> -> memref<64x768xf32, #tpu.memory_space<hbm>>
      tpu.enqueue_dma source(%dma_start3A_16 : memref<64x768xf32, #tpu.memory_space<hbm>>) target(%arg8 : memref<64x768xf32, #tpu.memory_space<vmem>>) target_semaphore(%run_scoped3A : memref<!tpu.dma_semaphore, #tpu.memory_space<semaphore_mem>>)
      %dma_wait3A_17 = arith.constant 0 : i32
      %dma_wait3A_18 = tpu.memref_slice %arg2[%mul3A_2, %dma_wait3A_17] : memref<2048x768xf32, #tpu.memory_space<hbm>> -> memref<64x768xf32, #tpu.memory_space<hbm>>
      %dma_wait3A_19 = arith.constant 0 : i32
      %dma_wait3A_20 = tpu.memref_slice %arg2[%mul3A_2, %dma_wait3A_19] : memref<2048x768xf32, #tpu.memory_space<hbm>> -> memref<64x768xf32, #tpu.memory_space<hbm>>
      tpu.wait_dma2 semaphore(%run_scoped3A : memref<!tpu.dma_semaphore, #tpu.memory_space<semaphore_mem>>) src(%dma_wait3A_20 : memref<64x768xf32, #tpu.memory_space<hbm>>) dst(%arg8 : memref<64x768xf32, #tpu.memory_space<vmem>>)
      tpu.yield
    }) : () -> ()
    "tpu.region"() ({
      %run_scoped3A = tpu.sem_alloc : memref<!tpu.dma_semaphore, #tpu.memory_space<semaphore_mem>>
      %dma_start3A_13 = arith.constant 0 : i32
      %dma_start3A_14 = tpu.memref_slice %arg4[%mul3A_2, %dma_start3A_13] : memref<2048x128xf32, #tpu.memory_space<hbm>> -> memref<64x128xf32, #tpu.memory_space<hbm>>
      %dma_start3A_15 = arith.constant 0 : i32
      %dma_start3A_16 = tpu.memref_slice %arg4[%mul3A_2, %dma_start3A_15] : memref<2048x128xf32, #tpu.memory_space<hbm>> -> memref<64x128xf32, #tpu.memory_space<hbm>>
      tpu.enqueue_dma source(%dma_start3A_16 : memref<64x128xf32, #tpu.memory_space<hbm>>) target(%arg9 : memref<64x128xf32, #tpu.memory_space<vmem>>) target_semaphore(%run_scoped3A : memref<!tpu.dma_semaphore, #tpu.memory_space<semaphore_mem>>)
      %dma_wait3A_17 = arith.constant 0 : i32
      %dma_wait3A_18 = tpu.memref_slice %arg4[%mul3A_2, %dma_wait3A_17] : memref<2048x128xf32, #tpu.memory_space<hbm>> -> memref<64x128xf32, #tpu.memory_space<hbm>>
      %dma_wait3A_19 = arith.constant 0 : i32
      %dma_wait3A_20 = tpu.memref_slice %arg4[%mul3A_2, %dma_wait3A_19] : memref<2048x128xf32, #tpu.memory_space<hbm>> -> memref<64x128xf32, #tpu.memory_space<hbm>>
      tpu.wait_dma2 semaphore(%run_scoped3A : memref<!tpu.dma_semaphore, #tpu.memory_space<semaphore_mem>>) src(%dma_wait3A_20 : memref<64x128xf32, #tpu.memory_space<hbm>>) dst(%arg9 : memref<64x128xf32, #tpu.memory_space<vmem>>)
      tpu.yield
    }) : () -> ()
    %dma_start3A = arith.constant 0 : i32
    %dma_start3A_3 = arith.constant 0 : i32
    %dma_start3A_4 = tpu.memref_slice %arg5[%dma_start3A, %dma_start3A_3] : memref<2560x768xf32, #tpu.memory_space<hbm>> -> memref<2560x768xf32, #tpu.memory_space<hbm>>
    tpu.enqueue_indirect_dma source(%arg8 : memref<64x768xf32, #tpu.memory_space<vmem>>) target(%dma_start3A_4 : memref<2560x768xf32, #tpu.memory_space<hbm>>) offsets(%arg7 : memref<64xi32, #tpu.memory_space<vmem>>) semaphore(%arg10 : memref<!tpu.dma_semaphore, #tpu.memory_space<semaphore_mem>>)
    %dma_wait3A = arith.constant 0 : i32
    %dma_wait3A_5 = arith.constant 0 : i32
    %dma_wait3A_6 = tpu.memref_slice %arg5[%dma_wait3A, %dma_wait3A_5] : memref<2560x768xf32, #tpu.memory_space<hbm>> -> memref<2560x768xf32, #tpu.memory_space<hbm>>
    tpu.wait_indirect_dma semaphore(%arg10 : memref<!tpu.dma_semaphore, #tpu.memory_space<semaphore_mem>>) src(%arg8 : memref<64x768xf32, #tpu.memory_space<vmem>>) dst(%dma_wait3A_6 : memref<2560x768xf32, #tpu.memory_space<hbm>>)
    %dma_start3A_7 = arith.constant 0 : i32
    %dma_start3A_8 = arith.constant 0 : i32
    %dma_start3A_9 = tpu.memref_slice %arg6[%dma_start3A_7, %dma_start3A_8] : memref<2560x128xf32, #tpu.memory_space<hbm>> -> memref<2560x128xf32, #tpu.memory_space<hbm>>
    tpu.enqueue_indirect_dma source(%arg9 : memref<64x128xf32, #tpu.memory_space<vmem>>) target(%dma_start3A_9 : memref<2560x128xf32, #tpu.memory_space<hbm>>) offsets(%arg7 : memref<64xi32, #tpu.memory_space<vmem>>) semaphore(%arg10 : memref<!tpu.dma_semaphore, #tpu.memory_space<semaphore_mem>>)
    %dma_wait3A_10 = arith.constant 0 : i32
    %dma_wait3A_11 = arith.constant 0 : i32
    %dma_wait3A_12 = tpu.memref_slice %arg6[%dma_wait3A_10, %dma_wait3A_11] : memref<2560x128xf32, #tpu.memory_space<hbm>> -> memref<2560x128xf32, #tpu.memory_space<hbm>>
    tpu.wait_indirect_dma semaphore(%arg10 : memref<!tpu.dma_semaphore, #tpu.memory_space<semaphore_mem>>) src(%arg9 : memref<64x128xf32, #tpu.memory_space<vmem>>) dst(%dma_wait3A_12 : memref<2560x128xf32, #tpu.memory_space<hbm>>)
    return
  }
}

#map = affine_map<(d0, d1) -> (0, 0)>
#map1 = affine_map<(d0, d1) -> (0)>
module attributes {stable_mosaic.version = 14 : i64} {
  func.func @_sc_gather(%arg0: i32, %arg1: i32, %arg2: memref<2560x768xf32, #tpu.memory_space<hbm>>, %arg3: memref<2048xi32, #tpu.memory_space<hbm>>, %arg4: memref<2048x768xf32, #tpu.memory_space<hbm>>, %arg5: memref<64xi32, #tpu.memory_space<vmem>>, %arg6: memref<64x768xf32, #tpu.memory_space<vmem>>, %arg7: memref<!tpu.dma_semaphore, #tpu.memory_space<semaphore_mem>>) attributes {dimension_semantics = [#tpu.dimension_semantics<core_parallel>, #tpu.dimension_semantics<subcore_parallel>], iteration_bounds = array<i64: 2, 16>, scalar_prefetch = 0 : i64, scratch_operands = 3 : i64, tpu.core_type = #tpu.core_type<sc_vector_subcore>, window_params = [{transform_indices = #map}, {transform_indices = #map1}, {transform_indices = #map}]} {
    %mul3A = arith.constant 2 : i32
    %mul3A_0 = arith.muli %arg1, %mul3A : i32
    %add3A = arith.addi %mul3A_0, %arg0 : i32
    %mul3A_1 = arith.constant 64 : i32
    %mul3A_2 = arith.muli %add3A, %mul3A_1 : i32
    "tpu.region"() ({
      %run_scoped3A = tpu.sem_alloc : memref<!tpu.dma_semaphore, #tpu.memory_space<semaphore_mem>>
      %dma_start3A_7 = tpu.memref_slice %arg3[%mul3A_2] : memref<2048xi32, #tpu.memory_space<hbm>> -> memref<64xi32, #tpu.memory_space<hbm>>
      %dma_start3A_8 = tpu.memref_slice %arg3[%mul3A_2] : memref<2048xi32, #tpu.memory_space<hbm>> -> memref<64xi32, #tpu.memory_space<hbm>>
      tpu.enqueue_dma source(%dma_start3A_8 : memref<64xi32, #tpu.memory_space<hbm>>) target(%arg5 : memref<64xi32, #tpu.memory_space<vmem>>) target_semaphore(%run_scoped3A : memref<!tpu.dma_semaphore, #tpu.memory_space<semaphore_mem>>)
      %dma_wait3A_9 = tpu.memref_slice %arg3[%mul3A_2] : memref<2048xi32, #tpu.memory_space<hbm>> -> memref<64xi32, #tpu.memory_space<hbm>>
      %dma_wait3A_10 = tpu.memref_slice %arg3[%mul3A_2] : memref<2048xi32, #tpu.memory_space<hbm>> -> memref<64xi32, #tpu.memory_space<hbm>>
      tpu.wait_dma2 semaphore(%run_scoped3A : memref<!tpu.dma_semaphore, #tpu.memory_space<semaphore_mem>>) src(%dma_wait3A_10 : memref<64xi32, #tpu.memory_space<hbm>>) dst(%arg5 : memref<64xi32, #tpu.memory_space<vmem>>)
      tpu.yield
    }) : () -> ()
    %dma_start3A = arith.constant 0 : i32
    %dma_start3A_3 = arith.constant 0 : i32
    %dma_start3A_4 = tpu.memref_slice %arg2[%dma_start3A, %dma_start3A_3] : memref<2560x768xf32, #tpu.memory_space<hbm>> -> memref<2560x768xf32, #tpu.memory_space<hbm>>
    tpu.enqueue_indirect_dma source(%dma_start3A_4 : memref<2560x768xf32, #tpu.memory_space<hbm>>) target(%arg6 : memref<64x768xf32, #tpu.memory_space<vmem>>) offsets(%arg5 : memref<64xi32, #tpu.memory_space<vmem>>) semaphore(%arg7 : memref<!tpu.dma_semaphore, #tpu.memory_space<semaphore_mem>>)
    %dma_wait3A = arith.constant 0 : i32
    %dma_wait3A_5 = arith.constant 0 : i32
    %dma_wait3A_6 = tpu.memref_slice %arg2[%dma_wait3A, %dma_wait3A_5] : memref<2560x768xf32, #tpu.memory_space<hbm>> -> memref<2560x768xf32, #tpu.memory_space<hbm>>
    tpu.wait_indirect_dma semaphore(%arg7 : memref<!tpu.dma_semaphore, #tpu.memory_space<semaphore_mem>>) src(%dma_wait3A_6 : memref<2560x768xf32, #tpu.memory_space<hbm>>) dst(%arg6 : memref<64x768xf32, #tpu.memory_space<vmem>>)
    "tpu.region"() ({
      %run_scoped3A = tpu.sem_alloc : memref<!tpu.dma_semaphore, #tpu.memory_space<semaphore_mem>>
      %dma_start3A_7 = arith.constant 0 : i32
      %dma_start3A_8 = tpu.memref_slice %arg4[%mul3A_2, %dma_start3A_7] : memref<2048x768xf32, #tpu.memory_space<hbm>> -> memref<64x768xf32, #tpu.memory_space<hbm>>
      %dma_start3A_9 = arith.constant 0 : i32
      %dma_start3A_10 = tpu.memref_slice %arg4[%mul3A_2, %dma_start3A_9] : memref<2048x768xf32, #tpu.memory_space<hbm>> -> memref<64x768xf32, #tpu.memory_space<hbm>>
      tpu.enqueue_dma source(%arg6 : memref<64x768xf32, #tpu.memory_space<vmem>>) target(%dma_start3A_10 : memref<64x768xf32, #tpu.memory_space<hbm>>) target_semaphore(%run_scoped3A : memref<!tpu.dma_semaphore, #tpu.memory_space<semaphore_mem>>)
      %dma_wait3A_11 = arith.constant 0 : i32
      %dma_wait3A_12 = tpu.memref_slice %arg4[%mul3A_2, %dma_wait3A_11] : memref<2048x768xf32, #tpu.memory_space<hbm>> -> memref<64x768xf32, #tpu.memory_space<hbm>>
      %dma_wait3A_13 = arith.constant 0 : i32
      %dma_wait3A_14 = tpu.memref_slice %arg4[%mul3A_2, %dma_wait3A_13] : memref<2048x768xf32, #tpu.memory_space<hbm>> -> memref<64x768xf32, #tpu.memory_space<hbm>>
      tpu.wait_dma2 semaphore(%run_scoped3A : memref<!tpu.dma_semaphore, #tpu.memory_space<semaphore_mem>>) src(%arg6 : memref<64x768xf32, #tpu.memory_space<vmem>>) dst(%dma_wait3A_14 : memref<64x768xf32, #tpu.memory_space<hbm>>)
      tpu.yield
    }) : () -> ()
    return
  }
}

module attributes {stable_mosaic.version = 14 : i64} {
  func.func @_router_body(%arg0: memref<2048x768xf32, #tpu.memory_space<vmem>>, %arg1: memref<64x768xf32, #tpu.memory_space<vmem>>, %arg2: memref<2048x1xi32, #tpu.memory_space<vmem>>, %arg3: memref<2048x128xf32, #tpu.memory_space<vmem>>, %arg4: memref<2x64xi32, #tpu.memory_space<vmem>>) attributes {dimension_semantics = [], scalar_prefetch = 0 : i64, scratch_operands = 0 : i64, tpu.core_type = #tpu.core_type<tc>} {
    %get3A = arith.constant 0 : index
    %get3A_0 = arith.constant 0 : index
    %get3A_1 = vector.load %arg0[%get3A, %get3A_0] : memref<2048x768xf32, #tpu.memory_space<vmem>>, vector<2048x768xf32>
    %get3A_2 = arith.constant 0 : index
    %get3A_3 = arith.constant 0 : index
    %get3A_4 = vector.load %arg1[%get3A_2, %get3A_3] : memref<64x768xf32, #tpu.memory_space<vmem>>, vector<64x768xf32>
    %dot_general3A = arith.constant dense<0.000000e+00> : vector<2048x64xf32>
    %dot_general3A_5 = tpu.matmul %get3A_1, %get3A_4, %dot_general3A {dimension_numbers = #tpu.dot_dimension_numbers<[1], [1], [0], [0], [0, 0, 1, 0], [], []>, transpose_lhs_hint = false} : vector<2048x768xf32>, vector<64x768xf32>, vector<2048x64xf32> -> vector<2048x64xf32>
    %reduce_max3A = arith.constant dense<0xFF800000> : vector<2048xf32>
    %reduce_max3A_6 = vector.multi_reduction <maximumf>, %dot_general3A_5, %reduce_max3A [1] : vector<2048x64xf32> to vector<2048xf32>
    %broadcast_in_dim3A = vector.shape_cast %reduce_max3A_6 : vector<2048xf32> to vector<2048x1xf32>
    %sub3A = vector.broadcast %broadcast_in_dim3A : vector<2048x1xf32> to vector<2048x64xf32>
    %sub3A_7 = arith.subf %dot_general3A_5, %sub3A : vector<2048x64xf32>
    %exp3A = math.exp %sub3A_7 : vector<2048x64xf32>
    %reduce_sum3A = arith.constant dense<0.000000e+00> : vector<2048xf32>
    %reduce_sum3A_8 = vector.multi_reduction <add>, %exp3A, %reduce_sum3A [1] : vector<2048x64xf32> to vector<2048xf32>
    %broadcast_in_dim3A_9 = vector.shape_cast %reduce_sum3A_8 : vector<2048xf32> to vector<2048x1xf32>
    %div3A = vector.broadcast %broadcast_in_dim3A_9 : vector<2048x1xf32> to vector<2048x64xf32>
    %div3A_10 = arith.divf %exp3A, %div3A : vector<2048x64xf32>
    %reduce_max3A_11 = arith.constant dense<0xFF800000> : vector<2048xf32>
    %reduce_max3A_12 = vector.multi_reduction <maximumf>, %div3A_10, %reduce_max3A_11 [1] : vector<2048x64xf32> to vector<2048xf32>
    %broadcast_in_dim3A_13 = vector.shape_cast %reduce_max3A_12 : vector<2048xf32> to vector<2048x1xf32>
    %add3A = arith.constant 9.99999971E-10 : f32
    %add3A_14 = vector.broadcast %add3A : f32 to vector<2048x1xf32>
    %add3A_15 = arith.addf %broadcast_in_dim3A_13, %add3A_14 : vector<2048x1xf32>
    %div3A_16 = arith.divf %broadcast_in_dim3A_13, %add3A_15 : vector<2048x1xf32>
    %iota3A = tpu.iota {dimensions = array<i32: 1>} : vector<2048x64xi32>
    %eq3A = vector.broadcast %broadcast_in_dim3A_13 : vector<2048x1xf32> to vector<2048x64xf32>
    %eq3A_17 = arith.cmpf oeq, %div3A_10, %eq3A : vector<2048x64xf32>
    %jit3A = arith.constant 64 : i32
    %broadcast_in_dim3A_18 = vector.broadcast %jit3A : i32 to vector<2048x64xi32>
    %select_n3A = arith.select %eq3A_17, %iota3A, %broadcast_in_dim3A_18 : vector<2048x64xi1>, vector<2048x64xi32>
    %reduce_min3A = arith.constant dense<2147483647> : vector<2048xi32>
    %reduce_min3A_19 = vector.multi_reduction <minsi>, %select_n3A, %reduce_min3A [1] : vector<2048x64xi32> to vector<2048xi32>
    %broadcast_in_dim3A_20 = vector.shape_cast %reduce_min3A_19 : vector<2048xi32> to vector<2048x1xi32>
    %eq3A_21 = vector.broadcast %broadcast_in_dim3A_20 : vector<2048x1xi32> to vector<2048x64xi32>
    %eq3A_22 = arith.cmpi eq, %iota3A, %eq3A_21 : vector<2048x64xi32>
    %convert_element_type3A = arith.extui %eq3A_22 : vector<2048x64xi1> to vector<2048x64xi32>
    %convert_element_type3A_23 = arith.sitofp %convert_element_type3A : vector<2048x64xi32> to vector<2048x64xf32>
    %iota3A_24 = tpu.iota {dimensions = array<i32: 0>} : vector<2048x2048xi32>
    %iota3A_25 = tpu.iota {dimensions = array<i32: 1>} : vector<2048x2048xi32>
    %le3A = arith.cmpi sle, %iota3A_25, %iota3A_24 : vector<2048x2048xi32>
    %convert_element_type3A_26 = arith.extui %le3A : vector<2048x2048xi1> to vector<2048x2048xi32>
    %convert_element_type3A_27 = arith.sitofp %convert_element_type3A_26 : vector<2048x2048xi32> to vector<2048x2048xf32>
    %convert_element_type3A_28 = arith.truncf %convert_element_type3A_27 : vector<2048x2048xf32> to vector<2048x2048xbf16>
    %convert_element_type3A_29 = arith.truncf %convert_element_type3A_23 : vector<2048x64xf32> to vector<2048x64xbf16>
    %dot_general3A_30 = arith.constant dense<0.000000e+00> : vector<2048x64xf32>
    %dot_general3A_31 = tpu.matmul %convert_element_type3A_28, %convert_element_type3A_29, %dot_general3A_30 {dimension_numbers = #tpu.dot_dimension_numbers<[1], [0], [0], [1], [0, 0, 1, 1], [], []>, transpose_lhs_hint = false} : vector<2048x2048xbf16>, vector<2048x64xbf16>, vector<2048x64xf32> -> vector<2048x64xf32>
    %slice3A = vector.extract_strided_slice %dot_general3A_31 {offsets = [2047, 0], sizes = [1, 64], strides = [1, 1]} : vector<2048x64xf32> to vector<1x64xf32>
    %mul3A = arith.constant 1.250000e-01 : f32
    %mul3A_32 = vector.broadcast %mul3A : f32 to vector<1x64xf32>
    %mul3A_33 = arith.mulf %slice3A, %mul3A_32 : vector<1x64xf32>
    %ceil3A = math.ceil %mul3A_33 : vector<1x64xf32>
    %mul3A_34 = arith.constant 8.000000e+00 : f32
    %mul3A_35 = vector.broadcast %mul3A_34 : f32 to vector<1x64xf32>
    %mul3A_36 = arith.mulf %ceil3A, %mul3A_35 : vector<1x64xf32>
    %iota3A_37 = tpu.iota {dimensions = array<i32: 0>} : vector<64x64xi32>
    %iota3A_38 = tpu.iota {dimensions = array<i32: 1>} : vector<64x64xi32>
    %lt3A = arith.cmpi slt, %iota3A_37, %iota3A_38 : vector<64x64xi32>
    %convert_element_type3A_39 = arith.extui %lt3A : vector<64x64xi1> to vector<64x64xi32>
    %convert_element_type3A_40 = arith.sitofp %convert_element_type3A_39 : vector<64x64xi32> to vector<64x64xf32>
    %dot_general3A_41 = arith.constant dense<0.000000e+00> : vector<1x64xf32>
    %dot_general3A_42 = tpu.matmul %mul3A_36, %convert_element_type3A_40, %dot_general3A_41 {dimension_numbers = #tpu.dot_dimension_numbers<[1], [0], [0], [1], [0, 0, 1, 1], [], []>, precision = #tpu.contract_precision<fp32>, transpose_lhs_hint = false} : vector<1x64xf32>, vector<64x64xf32>, vector<1x64xf32> -> vector<1x64xf32>
    %mul3A_43 = vector.broadcast %dot_general3A_42 : vector<1x64xf32> to vector<2048x64xf32>
    %mul3A_44 = arith.mulf %convert_element_type3A_23, %mul3A_43 : vector<2048x64xf32>
    %reduce_sum3A_45 = arith.constant dense<0.000000e+00> : vector<2048xf32>
    %reduce_sum3A_46 = vector.multi_reduction <add>, %mul3A_44, %reduce_sum3A_45 [1] : vector<2048x64xf32> to vector<2048xf32>
    %broadcast_in_dim3A_47 = vector.shape_cast %reduce_sum3A_46 : vector<2048xf32> to vector<2048x1xf32>
    %mul3A_48 = arith.mulf %convert_element_type3A_23, %dot_general3A_31 : vector<2048x64xf32>
    %reduce_sum3A_49 = arith.constant dense<0.000000e+00> : vector<2048xf32>
    %reduce_sum3A_50 = vector.multi_reduction <add>, %mul3A_48, %reduce_sum3A_49 [1] : vector<2048x64xf32> to vector<2048xf32>
    %broadcast_in_dim3A_51 = vector.shape_cast %reduce_sum3A_50 : vector<2048xf32> to vector<2048x1xf32>
    %add3A_52 = arith.addf %broadcast_in_dim3A_47, %broadcast_in_dim3A_51 : vector<2048x1xf32>
    %sub3A_53 = arith.constant 1.000000e+00 : f32
    %sub3A_54 = vector.broadcast %sub3A_53 : f32 to vector<2048x1xf32>
    %sub3A_55 = arith.subf %add3A_52, %sub3A_54 : vector<2048x1xf32>
    %convert_element_type3A_56 = arith.fptosi %sub3A_55 : vector<2048x1xf32> to vector<2048x1xi32>
    %swap3A = arith.constant 0 : index
    %swap3A_57 = arith.constant 0 : index
    %swap3A_58 = vector.load %arg2[%swap3A, %swap3A_57] : memref<2048x1xi32, #tpu.memory_space<vmem>>, vector<2048x1xi32>
    tpu.vector_store %arg2[%swap3A, %swap3A_57], %convert_element_type3A_56 {strides = array<i32>} : memref<2048x1xi32, #tpu.memory_space<vmem>>, vector<2048x1xi32>,
    %broadcast_in_dim3A_59 = vector.shape_cast %div3A_16 : vector<2048x1xf32> to vector<2048x1xf32>
    %broadcast_in_dim3A_60 = vector.broadcast %broadcast_in_dim3A_59 : vector<2048x1xf32> to vector<2048x128xf32>
    %swap3A_61 = arith.constant 0 : index
    %swap3A_62 = arith.constant 0 : index
    %swap3A_63 = vector.load %arg3[%swap3A_61, %swap3A_62] : memref<2048x128xf32, #tpu.memory_space<vmem>>, vector<2048x128xf32>
    tpu.vector_store %arg3[%swap3A_61, %swap3A_62], %broadcast_in_dim3A_60 {strides = array<i32>} : memref<2048x128xf32, #tpu.memory_space<vmem>>, vector<2048x128xf32>,
    %concatenate3A = tpu.concatenate %dot_general3A_42, %slice3A in 0 : vector<1x64xf32>, vector<1x64xf32> -> vector<2x64xf32>
    %convert_element_type3A_64 = arith.fptosi %concatenate3A : vector<2x64xf32> to vector<2x64xi32>
    %swap3A_65 = arith.constant 0 : index
    %swap3A_66 = arith.constant 0 : index
    %swap3A_67 = vector.load %arg4[%swap3A_65, %swap3A_66] : memref<2x64xi32, #tpu.memory_space<vmem>>, vector<2x64xi32>
    tpu.vector_store %arg4[%swap3A_65, %swap3A_66], %convert_element_type3A_64 {strides = array<i32>} : memref<2x64xi32, #tpu.memory_space<vmem>>, vector<2x64xi32>,
    return
  }
}

module attributes {stable_mosaic.version = 14 : i64} {
  func.func @_mlp_body(%arg0: i32, %arg1: memref<2x64xi32, #tpu.memory_space<smem>>, %arg2: memref<2560x768xf32, #tpu.memory_space<hbm>>, %arg3: memref<2560x128xf32, #tpu.memory_space<vmem>>, %arg4: memref<1x3072x768xf32, #tpu.memory_space<vmem>>, %arg5: memref<1x1x3072xf32, #tpu.memory_space<vmem>>, %arg6: memref<1x768x3072xf32, #tpu.memory_space<vmem>>, %arg7: memref<1x1x768xf32, #tpu.memory_space<vmem>>, %arg8: memref<2560x768xf32, #tpu.memory_space<hbm>>, %arg9: memref<2x64x768xf32, #tpu.memory_space<vmem>>, %arg10: memref<2x64x768xf32, #tpu.memory_space<vmem>>, %arg11: memref<2x!tpu.dma_semaphore, #tpu.memory_space<semaphore_mem>>, %arg12: memref<2x!tpu.dma_semaphore, #tpu.memory_space<semaphore_mem>>) attributes {dimension_semantics = [#tpu.dimension_semantics<arbitrary>], iteration_bounds = array<i64: 64>, scalar_prefetch = 0 : i64, scratch_operands = 4 : i64, tpu.core_type = #tpu.core_type<tc>, window_params = [{transform_indices = @transform_0, window_bounds = array<i64: 2, 64>}, {}, {pipeline_mode = #tpu.pipeline_mode<synchronous>, transform_indices = @transform_2, window_bounds = array<i64: 2560, 128>}, {transform_indices = @transform_3, window_bounds = array<i64: 1, 3072, 768>}, {transform_indices = @transform_4, window_bounds = array<i64: 1, 1, 3072>}, {transform_indices = @transform_5, window_bounds = array<i64: 1, 768, 3072>}, {transform_indices = @transform_6, window_bounds = array<i64: 1, 1, 768>}, {}]} {
    %get3A = arith.constant 0 : index
    %get3A_0 = arith.index_cast %arg0 : i32 to index
    %get3A_1 = memref.load %arg1[%get3A, %get3A_0] : memref<2x64xi32, #tpu.memory_space<smem>>
    %get3A_2 = arith.constant 1 : index
    %get3A_3 = arith.index_cast %arg0 : i32 to index
    %get3A_4 = memref.load %arg1[%get3A_2, %get3A_3] : memref<2x64xi32, #tpu.memory_space<smem>>
    %add3A = arith.constant 64 : i32
    %add3A_5 = arith.addi %get3A_4, %add3A : i32
    %sub3A = arith.constant 1 : i32
    %sub3A_6 = arith.subi %add3A_5, %sub3A : i32
    %jit3A = arith.constant 64 : i32
    %div3A = arith.divsi %sub3A_6, %jit3A : i32
    %sign3A = arith.constant 0 : i32
    %sign3A_7 = arith.cmpi sgt, %sub3A_6, %sign3A : i32
    %sign3A_8 = arith.extui %sign3A_7 : i1 to i32
    %sign3A_9 = arith.constant 0 : i32
    %sign3A_10 = arith.cmpi slt, %sub3A_6, %sign3A_9 : i32
    %sign3A_11 = arith.extui %sign3A_10 : i1 to i32
    %sign3A_12 = arith.subi %sign3A_8, %sign3A_11 : i32
    %sign3A_13 = arith.constant 0 : i32
    %sign3A_14 = arith.cmpi sgt, %jit3A, %sign3A_13 : i32
    %sign3A_15 = arith.extui %sign3A_14 : i1 to i32
    %sign3A_16 = arith.constant 0 : i32
    %sign3A_17 = arith.cmpi slt, %jit3A, %sign3A_16 : i32
    %sign3A_18 = arith.extui %sign3A_17 : i1 to i32
    %sign3A_19 = arith.subi %sign3A_15, %sign3A_18 : i32
    %ne3A = arith.cmpi ne, %sign3A_12, %sign3A_19 : i32
    %rem3A = arith.remsi %sub3A_6, %jit3A : i32
    %ne3A_20 = arith.constant 0 : i32
    %ne3A_21 = arith.cmpi ne, %rem3A, %ne3A_20 : i32
    %and3A = arith.andi %ne3A, %ne3A_21 : i1
    %sub3A_22 = arith.constant 1 : i32
    %sub3A_23 = arith.subi %div3A, %sub3A_22 : i32
    %select_n3A = arith.select %and3A, %sub3A_23, %div3A : i32
    %get3A_24 = arith.constant 0 : index
    %get3A_25 = arith.constant 0 : index
    %get3A_26 = arith.constant 0 : index
    %get3A_27 = vector.load %arg4[%get3A_24, %get3A_25, %get3A_26] : memref<1x3072x768xf32, #tpu.memory_space<vmem>>, vector<1x3072x768xf32>
    %get3A_28 = vector.shape_cast %get3A_27 : vector<1x3072x768xf32> to vector<3072x768xf32>
    %get3A_29 = arith.constant 0 : index
    %get3A_30 = arith.constant 0 : index
    %get3A_31 = arith.constant 0 : index
    %get3A_32 = vector.load %arg6[%get3A_29, %get3A_30, %get3A_31] : memref<1x768x3072xf32, #tpu.memory_space<vmem>>, vector<1x768x3072xf32>
    %get3A_33 = vector.shape_cast %get3A_32 : vector<1x768x3072xf32> to vector<768x3072xf32>
    %get3A_34 = arith.constant 0 : index
    %get3A_35 = arith.constant 0 : index
    %get3A_36 = arith.constant 0 : index
    %get3A_37 = vector.load %arg5[%get3A_34, %get3A_35, %get3A_36] : memref<1x1x3072xf32, #tpu.memory_space<vmem>>, vector<1x1x3072xf32>
    %get3A_38 = vector.shape_cast %get3A_37 : vector<1x1x3072xf32> to vector<1x3072xf32>
    %get3A_39 = arith.constant 0 : index
    %get3A_40 = arith.constant 0 : index
    %get3A_41 = arith.constant 0 : index
    %get3A_42 = vector.load %arg7[%get3A_39, %get3A_40, %get3A_41] : memref<1x1x768xf32, #tpu.memory_space<vmem>>, vector<1x1x768xf32>
    %get3A_43 = vector.shape_cast %get3A_42 : vector<1x1x768xf32> to vector<1x768xf32>
    %eq3A = arith.constant 0 : i32
    %eq3A_44 = arith.cmpi eq, %arg0, %eq3A : i32
    %convert_element_type3A = arith.extui %eq3A_44 : i1 to i32
    %cond3A = arith.constant 0 : i32
    %cond3A_45 = arith.cmpi ne, %convert_element_type3A, %cond3A : i32
    scf.if %cond3A_45 {
      %multiple_of3A = tpu.assume_multiple %get3A_1, 8 : i32
      %dma_start3A = arith.constant 0 : i32
      %dma_start3A_75 = arith.constant 0 : i32
      %dma_start3A_76 = tpu.memref_slice %arg11[%dma_start3A_75] : memref<2x!tpu.dma_semaphore, #tpu.memory_space<semaphore_mem>> -> memref<1x!tpu.dma_semaphore, #tpu.memory_space<semaphore_mem>>
      %dma_start3A_77 = tpu.memref_squeeze %dma_start3A_76 : memref<1x!tpu.dma_semaphore, #tpu.memory_space<semaphore_mem>> -> memref<!tpu.dma_semaphore, #tpu.memory_space<semaphore_mem>>
      %dma_start3A_78 = arith.constant 0 : i32
      %dma_start3A_79 = arith.constant 0 : i32
      %dma_start3A_80 = tpu.memref_slice %arg9[%dma_start3A, %dma_start3A_78, %dma_start3A_79] : memref<2x64x768xf32, #tpu.memory_space<vmem>> -> memref<1x64x768xf32, #tpu.memory_space<vmem>>
      %dma_start3A_81 = tpu.memref_squeeze %dma_start3A_80 : memref<1x64x768xf32, #tpu.memory_space<vmem>> -> memref<64x768xf32, #tpu.memory_space<vmem>>
      %dma_start3A_82 = arith.constant 0 : i32
      %dma_start3A_83 = tpu.memref_slice %arg2[%multiple_of3A, %dma_start3A_82] : memref<2560x768xf32, #tpu.memory_space<hbm>> -> memref<64x768xf32, #tpu.memory_space<hbm>>
      tpu.enqueue_dma source(%dma_start3A_83 : memref<64x768xf32, #tpu.memory_space<hbm>>) target(%dma_start3A_81 : memref<64x768xf32, #tpu.memory_space<vmem>>) target_semaphore(%dma_start3A_77 : memref<!tpu.dma_semaphore, #tpu.memory_space<semaphore_mem>>)
    } else {
    }
    %while3A = arith.constant 0 : i32
    %while3A_46 = arith.constant 0 : i32
    %while3A_47 = arith.subi %select_n3A, %while3A_46 : i32
    %while3A_48 = arith.addi %while3A_46, %while3A_47 : i32
    %while3A_49 = arith.constant 1 : i32
    %while3A_50 = arith.divsi %while3A_47, %while3A_49 : i32
    %while3A_51 = arith.muli %while3A_50, %while3A_49 : i32
    %while3A_52 = arith.addi %while3A_46, %while3A_51 : i32
    %while3A_53 = arith.constant 1 : i32
    scf.for %while3A_75 = %while3A_46 to %while3A_52 step %while3A_53  : i32 {
      %mul3A = arith.constant 64 : i32
      %mul3A_76 = arith.muli %while3A_75, %mul3A : i32
      %add3A_77 = arith.addi %get3A_1, %mul3A_76 : i32
      %multiple_of3A = tpu.assume_multiple %add3A_77, 8 : i32
      %rem3A_78 = arith.constant 2 : i32
      %rem3A_79 = arith.remsi %while3A_75, %rem3A_78 : i32
      %dma_wait3A = tpu.memref_slice %arg11[%rem3A_79] : memref<2x!tpu.dma_semaphore, #tpu.memory_space<semaphore_mem>> -> memref<1x!tpu.dma_semaphore, #tpu.memory_space<semaphore_mem>>
      %dma_wait3A_80 = tpu.memref_squeeze %dma_wait3A : memref<1x!tpu.dma_semaphore, #tpu.memory_space<semaphore_mem>> -> memref<!tpu.dma_semaphore, #tpu.memory_space<semaphore_mem>>
      %dma_wait3A_81 = arith.constant 0 : i32
      %dma_wait3A_82 = arith.constant 0 : i32
      %dma_wait3A_83 = tpu.memref_slice %arg9[%rem3A_79, %dma_wait3A_81, %dma_wait3A_82] : memref<2x64x768xf32, #tpu.memory_space<vmem>> -> memref<1x64x768xf32, #tpu.memory_space<vmem>>
      %dma_wait3A_84 = tpu.memref_squeeze %dma_wait3A_83 : memref<1x64x768xf32, #tpu.memory_space<vmem>> -> memref<64x768xf32, #tpu.memory_space<vmem>>
      %dma_wait3A_85 = arith.constant 0 : i32
      %dma_wait3A_86 = arith.constant 0 : i32
      %dma_wait3A_87 = tpu.memref_slice %arg2[%dma_wait3A_85, %dma_wait3A_86] : memref<2560x768xf32, #tpu.memory_space<hbm>> -> memref<64x768xf32, #tpu.memory_space<hbm>>
      tpu.wait_dma2 semaphore(%dma_wait3A_80 : memref<!tpu.dma_semaphore, #tpu.memory_space<semaphore_mem>>) src(%dma_wait3A_87 : memref<64x768xf32, #tpu.memory_space<hbm>>) dst(%dma_wait3A_84 : memref<64x768xf32, #tpu.memory_space<vmem>>)
      %add3A_88 = arith.constant 1 : i32
      %add3A_89 = arith.addi %while3A_75, %add3A_88 : i32
      %lt3A_90 = arith.cmpi slt, %add3A_89, %select_n3A : i32
      %convert_element_type3A_91 = arith.extui %lt3A_90 : i1 to i32
      %cond3A_92 = arith.constant 0 : i32
      %cond3A_93 = arith.cmpi ne, %convert_element_type3A_91, %cond3A_92 : i32
      scf.if %cond3A_93 {
        %add3A_138 = arith.constant 1 : i32
        %add3A_139 = arith.addi %while3A_75, %add3A_138 : i32
        %mul3A_140 = arith.constant 64 : i32
        %mul3A_141 = arith.muli %add3A_139, %mul3A_140 : i32
        %add3A_142 = arith.addi %get3A_1, %mul3A_141 : i32
        %multiple_of3A_143 = tpu.assume_multiple %add3A_142, 8 : i32
        %sub3A_144 = arith.constant 1 : i32
        %sub3A_145 = arith.subi %sub3A_144, %rem3A_79 : i32
        %dma_start3A_146 = tpu.memref_slice %arg11[%sub3A_145] : memref<2x!tpu.dma_semaphore, #tpu.memory_space<semaphore_mem>> -> memref<1x!tpu.dma_semaphore, #tpu.memory_space<semaphore_mem>>
        %dma_start3A_147 = tpu.memref_squeeze %dma_start3A_146 : memref<1x!tpu.dma_semaphore, #tpu.memory_space<semaphore_mem>> -> memref<!tpu.dma_semaphore, #tpu.memory_space<semaphore_mem>>
        %dma_start3A_148 = arith.constant 0 : i32
        %dma_start3A_149 = arith.constant 0 : i32
        %dma_start3A_150 = tpu.memref_slice %arg9[%sub3A_145, %dma_start3A_148, %dma_start3A_149] : memref<2x64x768xf32, #tpu.memory_space<vmem>> -> memref<1x64x768xf32, #tpu.memory_space<vmem>>
        %dma_start3A_151 = tpu.memref_squeeze %dma_start3A_150 : memref<1x64x768xf32, #tpu.memory_space<vmem>> -> memref<64x768xf32, #tpu.memory_space<vmem>>
        %dma_start3A_152 = arith.constant 0 : i32
        %dma_start3A_153 = tpu.memref_slice %arg2[%multiple_of3A_143, %dma_start3A_152] : memref<2560x768xf32, #tpu.memory_space<hbm>> -> memref<64x768xf32, #tpu.memory_space<hbm>>
        tpu.enqueue_dma source(%dma_start3A_153 : memref<64x768xf32, #tpu.memory_space<hbm>>) target(%dma_start3A_151 : memref<64x768xf32, #tpu.memory_space<vmem>>) target_semaphore(%dma_start3A_147 : memref<!tpu.dma_semaphore, #tpu.memory_space<semaphore_mem>>)
      } else {
      }
      %ge3A_94 = arith.constant 2 : i32
      %ge3A_95 = arith.cmpi sge, %while3A_75, %ge3A_94 : i32
      %convert_element_type3A_96 = arith.extui %ge3A_95 : i1 to i32
      %cond3A_97 = arith.constant 0 : i32
      %cond3A_98 = arith.cmpi ne, %convert_element_type3A_96, %cond3A_97 : i32
      scf.if %cond3A_98 {
        %dma_wait3A_138 = tpu.memref_slice %arg12[%rem3A_79] : memref<2x!tpu.dma_semaphore, #tpu.memory_space<semaphore_mem>> -> memref<1x!tpu.dma_semaphore, #tpu.memory_space<semaphore_mem>>
        %dma_wait3A_139 = tpu.memref_squeeze %dma_wait3A_138 : memref<1x!tpu.dma_semaphore, #tpu.memory_space<semaphore_mem>> -> memref<!tpu.dma_semaphore, #tpu.memory_space<semaphore_mem>>
        %dma_wait3A_140 = arith.constant 0 : i32
        %dma_wait3A_141 = arith.constant 0 : i32
        %dma_wait3A_142 = tpu.memref_slice %arg8[%dma_wait3A_140, %dma_wait3A_141] : memref<2560x768xf32, #tpu.memory_space<hbm>> -> memref<64x768xf32, #tpu.memory_space<hbm>>
        %dma_wait3A_143 = arith.constant 0 : i32
        %dma_wait3A_144 = arith.constant 0 : i32
        %dma_wait3A_145 = tpu.memref_slice %arg10[%rem3A_79, %dma_wait3A_143, %dma_wait3A_144] : memref<2x64x768xf32, #tpu.memory_space<vmem>> -> memref<1x64x768xf32, #tpu.memory_space<vmem>>
        %dma_wait3A_146 = tpu.memref_squeeze %dma_wait3A_145 : memref<1x64x768xf32, #tpu.memory_space<vmem>> -> memref<64x768xf32, #tpu.memory_space<vmem>>
        tpu.wait_dma2 semaphore(%dma_wait3A_139 : memref<!tpu.dma_semaphore, #tpu.memory_space<semaphore_mem>>) src(%dma_wait3A_146 : memref<64x768xf32, #tpu.memory_space<vmem>>) dst(%dma_wait3A_142 : memref<64x768xf32, #tpu.memory_space<hbm>>)
      } else {
      }
      %get3A_99 = arith.index_cast %rem3A_79 : i32 to index
      %get3A_100 = arith.constant 0 : index
      %get3A_101 = arith.constant 0 : index
      %get3A_102 = vector.load %arg9[%get3A_99, %get3A_100, %get3A_101] : memref<2x64x768xf32, #tpu.memory_space<vmem>>, vector<1x64x768xf32>
      %get3A_103 = vector.shape_cast %get3A_102 : vector<1x64x768xf32> to vector<64x768xf32>
      %dot_general3A = arith.constant dense<0.000000e+00> : vector<64x3072xf32>
      %dot_general3A_104 = tpu.matmul %get3A_103, %get3A_28, %dot_general3A {dimension_numbers = #tpu.dot_dimension_numbers<[1], [1], [0], [0], [0, 0, 1, 0], [], []>, transpose_lhs_hint = false} : vector<64x768xf32>, vector<3072x768xf32>, vector<64x3072xf32> -> vector<64x3072xf32>
      %add3A_105 = vector.broadcast %get3A_38 : vector<1x3072xf32> to vector<64x3072xf32>
      %add3A_106 = arith.addf %dot_general3A_104, %add3A_105 : vector<64x3072xf32>
      %mul3A_107 = arith.constant 5.000000e-01 : f32
      %mul3A_108 = vector.broadcast %mul3A_107 : f32 to vector<64x3072xf32>
      %mul3A_109 = arith.mulf %mul3A_108, %add3A_106 : vector<64x3072xf32>
      %mul3A_110 = arith.constant 0.707106769 : f32
      %mul3A_111 = vector.broadcast %mul3A_110 : f32 to vector<64x3072xf32>
      %mul3A_112 = arith.mulf %add3A_106, %mul3A_111 : vector<64x3072xf32>
      %erf3A = math.erf %mul3A_112 : vector<64x3072xf32>
      %add3A_113 = arith.constant 1.000000e+00 : f32
      %add3A_114 = vector.broadcast %add3A_113 : f32 to vector<64x3072xf32>
      %add3A_115 = arith.addf %add3A_114, %erf3A : vector<64x3072xf32>
      %mul3A_116 = arith.mulf %mul3A_109, %add3A_115 : vector<64x3072xf32>
      %dot_general3A_117 = arith.constant dense<0.000000e+00> : vector<64x768xf32>
      %dot_general3A_118 = tpu.matmul %mul3A_116, %get3A_33, %dot_general3A_117 {dimension_numbers = #tpu.dot_dimension_numbers<[1], [1], [0], [0], [0, 0, 1, 0], [], []>, transpose_lhs_hint = false} : vector<64x3072xf32>, vector<768x3072xf32>, vector<64x768xf32> -> vector<64x768xf32>
      %add3A_119 = vector.broadcast %get3A_43 : vector<1x768xf32> to vector<64x768xf32>
      %add3A_120 = arith.addf %dot_general3A_118, %add3A_119 : vector<64x768xf32>
      %get3A_121 = arith.index_cast %multiple_of3A : i32 to index
      %get3A_122 = arith.constant 0 : index
      %get3A_123 = vector.load %arg3[%get3A_121, %get3A_122] : memref<2560x128xf32, #tpu.memory_space<vmem>>, vector<64x1xf32>
      %mul3A_124 = vector.broadcast %get3A_123 : vector<64x1xf32> to vector<64x768xf32>
      %mul3A_125 = arith.mulf %add3A_120, %mul3A_124 : vector<64x768xf32>
      %swap3A = arith.index_cast %rem3A_79 : i32 to index
      %swap3A_126 = arith.constant 0 : index
      %swap3A_127 = arith.constant 0 : index
      %swap3A_128 = vector.load %arg10[%swap3A, %swap3A_126, %swap3A_127] : memref<2x64x768xf32, #tpu.memory_space<vmem>>, vector<1x64x768xf32>
      %swap3A_129 = vector.shape_cast %swap3A_128 : vector<1x64x768xf32> to vector<64x768xf32>
      %swap3A_130 = vector.shape_cast %mul3A_125 : vector<64x768xf32> to vector<1x64x768xf32>
      tpu.vector_store %arg10[%swap3A, %swap3A_126, %swap3A_127], %swap3A_130 {strides = array<i32>} : memref<2x64x768xf32, #tpu.memory_space<vmem>>, vector<1x64x768xf32>,
      %dma_start3A = tpu.memref_slice %arg12[%rem3A_79] : memref<2x!tpu.dma_semaphore, #tpu.memory_space<semaphore_mem>> -> memref<1x!tpu.dma_semaphore, #tpu.memory_space<semaphore_mem>>
      %dma_start3A_131 = tpu.memref_squeeze %dma_start3A : memref<1x!tpu.dma_semaphore, #tpu.memory_space<semaphore_mem>> -> memref<!tpu.dma_semaphore, #tpu.memory_space<semaphore_mem>>
      %dma_start3A_132 = arith.constant 0 : i32
      %dma_start3A_133 = tpu.memref_slice %arg8[%multiple_of3A, %dma_start3A_132] : memref<2560x768xf32, #tpu.memory_space<hbm>> -> memref<64x768xf32, #tpu.memory_space<hbm>>
      %dma_start3A_134 = arith.constant 0 : i32
      %dma_start3A_135 = arith.constant 0 : i32
      %dma_start3A_136 = tpu.memref_slice %arg10[%rem3A_79, %dma_start3A_134, %dma_start3A_135] : memref<2x64x768xf32, #tpu.memory_space<vmem>> -> memref<1x64x768xf32, #tpu.memory_space<vmem>>
      %dma_start3A_137 = tpu.memref_squeeze %dma_start3A_136 : memref<1x64x768xf32, #tpu.memory_space<vmem>> -> memref<64x768xf32, #tpu.memory_space<vmem>>
      tpu.enqueue_dma source(%dma_start3A_137 : memref<64x768xf32, #tpu.memory_space<vmem>>) target(%dma_start3A_133 : memref<64x768xf32, #tpu.memory_space<hbm>>) target_semaphore(%dma_start3A_131 : memref<!tpu.dma_semaphore, #tpu.memory_space<semaphore_mem>>)
    }
    %while3A_54 = arith.constant 1 : i32
    scf.for %while3A_75 = %while3A_52 to %while3A_48 step %while3A_54  : i32 {
      %mul3A = arith.constant 64 : i32
      %mul3A_76 = arith.muli %while3A_75, %mul3A : i32
      %add3A_77 = arith.addi %get3A_1, %mul3A_76 : i32
      %multiple_of3A = tpu.assume_multiple %add3A_77, 8 : i32
      %rem3A_78 = arith.constant 2 : i32
      %rem3A_79 = arith.remsi %while3A_75, %rem3A_78 : i32
      %dma_wait3A = tpu.memref_slice %arg11[%rem3A_79] : memref<2x!tpu.dma_semaphore, #tpu.memory_space<semaphore_mem>> -> memref<1x!tpu.dma_semaphore, #tpu.memory_space<semaphore_mem>>
      %dma_wait3A_80 = tpu.memref_squeeze %dma_wait3A : memref<1x!tpu.dma_semaphore, #tpu.memory_space<semaphore_mem>> -> memref<!tpu.dma_semaphore, #tpu.memory_space<semaphore_mem>>
      %dma_wait3A_81 = arith.constant 0 : i32
      %dma_wait3A_82 = arith.constant 0 : i32
      %dma_wait3A_83 = tpu.memref_slice %arg9[%rem3A_79, %dma_wait3A_81, %dma_wait3A_82] : memref<2x64x768xf32, #tpu.memory_space<vmem>> -> memref<1x64x768xf32, #tpu.memory_space<vmem>>
      %dma_wait3A_84 = tpu.memref_squeeze %dma_wait3A_83 : memref<1x64x768xf32, #tpu.memory_space<vmem>> -> memref<64x768xf32, #tpu.memory_space<vmem>>
      %dma_wait3A_85 = arith.constant 0 : i32
      %dma_wait3A_86 = arith.constant 0 : i32
      %dma_wait3A_87 = tpu.memref_slice %arg2[%dma_wait3A_85, %dma_wait3A_86] : memref<2560x768xf32, #tpu.memory_space<hbm>> -> memref<64x768xf32, #tpu.memory_space<hbm>>
      tpu.wait_dma2 semaphore(%dma_wait3A_80 : memref<!tpu.dma_semaphore, #tpu.memory_space<semaphore_mem>>) src(%dma_wait3A_87 : memref<64x768xf32, #tpu.memory_space<hbm>>) dst(%dma_wait3A_84 : memref<64x768xf32, #tpu.memory_space<vmem>>)
      %add3A_88 = arith.constant 1 : i32
      %add3A_89 = arith.addi %while3A_75, %add3A_88 : i32
      %lt3A_90 = arith.cmpi slt, %add3A_89, %select_n3A : i32
      %convert_element_type3A_91 = arith.extui %lt3A_90 : i1 to i32
      %cond3A_92 = arith.constant 0 : i32
      %cond3A_93 = arith.cmpi ne, %convert_element_type3A_91, %cond3A_92 : i32
      scf.if %cond3A_93 {
        %add3A_138 = arith.constant 1 : i32
        %add3A_139 = arith.addi %while3A_75, %add3A_138 : i32
        %mul3A_140 = arith.constant 64 : i32
        %mul3A_141 = arith.muli %add3A_139, %mul3A_140 : i32
        %add3A_142 = arith.addi %get3A_1, %mul3A_141 : i32
        %multiple_of3A_143 = tpu.assume_multiple %add3A_142, 8 : i32
        %sub3A_144 = arith.constant 1 : i32
        %sub3A_145 = arith.subi %sub3A_144, %rem3A_79 : i32
        %dma_start3A_146 = tpu.memref_slice %arg11[%sub3A_145] : memref<2x!tpu.dma_semaphore, #tpu.memory_space<semaphore_mem>> -> memref<1x!tpu.dma_semaphore, #tpu.memory_space<semaphore_mem>>
        %dma_start3A_147 = tpu.memref_squeeze %dma_start3A_146 : memref<1x!tpu.dma_semaphore, #tpu.memory_space<semaphore_mem>> -> memref<!tpu.dma_semaphore, #tpu.memory_space<semaphore_mem>>
        %dma_start3A_148 = arith.constant 0 : i32
        %dma_start3A_149 = arith.constant 0 : i32
        %dma_start3A_150 = tpu.memref_slice %arg9[%sub3A_145, %dma_start3A_148, %dma_start3A_149] : memref<2x64x768xf32, #tpu.memory_space<vmem>> -> memref<1x64x768xf32, #tpu.memory_space<vmem>>
        %dma_start3A_151 = tpu.memref_squeeze %dma_start3A_150 : memref<1x64x768xf32, #tpu.memory_space<vmem>> -> memref<64x768xf32, #tpu.memory_space<vmem>>
        %dma_start3A_152 = arith.constant 0 : i32
        %dma_start3A_153 = tpu.memref_slice %arg2[%multiple_of3A_143, %dma_start3A_152] : memref<2560x768xf32, #tpu.memory_space<hbm>> -> memref<64x768xf32, #tpu.memory_space<hbm>>
        tpu.enqueue_dma source(%dma_start3A_153 : memref<64x768xf32, #tpu.memory_space<hbm>>) target(%dma_start3A_151 : memref<64x768xf32, #tpu.memory_space<vmem>>) target_semaphore(%dma_start3A_147 : memref<!tpu.dma_semaphore, #tpu.memory_space<semaphore_mem>>)
      } else {
      }
      %ge3A_94 = arith.constant 2 : i32
      %ge3A_95 = arith.cmpi sge, %while3A_75, %ge3A_94 : i32
      %convert_element_type3A_96 = arith.extui %ge3A_95 : i1 to i32
      %cond3A_97 = arith.constant 0 : i32
      %cond3A_98 = arith.cmpi ne, %convert_element_type3A_96, %cond3A_97 : i32
      scf.if %cond3A_98 {
        %dma_wait3A_138 = tpu.memref_slice %arg12[%rem3A_79] : memref<2x!tpu.dma_semaphore, #tpu.memory_space<semaphore_mem>> -> memref<1x!tpu.dma_semaphore, #tpu.memory_space<semaphore_mem>>
        %dma_wait3A_139 = tpu.memref_squeeze %dma_wait3A_138 : memref<1x!tpu.dma_semaphore, #tpu.memory_space<semaphore_mem>> -> memref<!tpu.dma_semaphore, #tpu.memory_space<semaphore_mem>>
        %dma_wait3A_140 = arith.constant 0 : i32
        %dma_wait3A_141 = arith.constant 0 : i32
        %dma_wait3A_142 = tpu.memref_slice %arg8[%dma_wait3A_140, %dma_wait3A_141] : memref<2560x768xf32, #tpu.memory_space<hbm>> -> memref<64x768xf32, #tpu.memory_space<hbm>>
        %dma_wait3A_143 = arith.constant 0 : i32
        %dma_wait3A_144 = arith.constant 0 : i32
        %dma_wait3A_145 = tpu.memref_slice %arg10[%rem3A_79, %dma_wait3A_143, %dma_wait3A_144] : memref<2x64x768xf32, #tpu.memory_space<vmem>> -> memref<1x64x768xf32, #tpu.memory_space<vmem>>
        %dma_wait3A_146 = tpu.memref_squeeze %dma_wait3A_145 : memref<1x64x768xf32, #tpu.memory_space<vmem>> -> memref<64x768xf32, #tpu.memory_space<vmem>>
        tpu.wait_dma2 semaphore(%dma_wait3A_139 : memref<!tpu.dma_semaphore, #tpu.memory_space<semaphore_mem>>) src(%dma_wait3A_146 : memref<64x768xf32, #tpu.memory_space<vmem>>) dst(%dma_wait3A_142 : memref<64x768xf32, #tpu.memory_space<hbm>>)
      } else {
      }
      %get3A_99 = arith.index_cast %rem3A_79 : i32 to index
      %get3A_100 = arith.constant 0 : index
      %get3A_101 = arith.constant 0 : index
      %get3A_102 = vector.load %arg9[%get3A_99, %get3A_100, %get3A_101] : memref<2x64x768xf32, #tpu.memory_space<vmem>>, vector<1x64x768xf32>
      %get3A_103 = vector.shape_cast %get3A_102 : vector<1x64x768xf32> to vector<64x768xf32>
      %dot_general3A = arith.constant dense<0.000000e+00> : vector<64x3072xf32>
      %dot_general3A_104 = tpu.matmul %get3A_103, %get3A_28, %dot_general3A {dimension_numbers = #tpu.dot_dimension_numbers<[1], [1], [0], [0], [0, 0, 1, 0], [], []>, transpose_lhs_hint = false} : vector<64x768xf32>, vector<3072x768xf32>, vector<64x3072xf32> -> vector<64x3072xf32>
      %add3A_105 = vector.broadcast %get3A_38 : vector<1x3072xf32> to vector<64x3072xf32>
      %add3A_106 = arith.addf %dot_general3A_104, %add3A_105 : vector<64x3072xf32>
      %mul3A_107 = arith.constant 5.000000e-01 : f32
      %mul3A_108 = vector.broadcast %mul3A_107 : f32 to vector<64x3072xf32>
      %mul3A_109 = arith.mulf %mul3A_108, %add3A_106 : vector<64x3072xf32>
      %mul3A_110 = arith.constant 0.707106769 : f32
      %mul3A_111 = vector.broadcast %mul3A_110 : f32 to vector<64x3072xf32>
      %mul3A_112 = arith.mulf %add3A_106, %mul3A_111 : vector<64x3072xf32>
      %erf3A = math.erf %mul3A_112 : vector<64x3072xf32>
      %add3A_113 = arith.constant 1.000000e+00 : f32
      %add3A_114 = vector.broadcast %add3A_113 : f32 to vector<64x3072xf32>
      %add3A_115 = arith.addf %add3A_114, %erf3A : vector<64x3072xf32>
      %mul3A_116 = arith.mulf %mul3A_109, %add3A_115 : vector<64x3072xf32>
      %dot_general3A_117 = arith.constant dense<0.000000e+00> : vector<64x768xf32>
      %dot_general3A_118 = tpu.matmul %mul3A_116, %get3A_33, %dot_general3A_117 {dimension_numbers = #tpu.dot_dimension_numbers<[1], [1], [0], [0], [0, 0, 1, 0], [], []>, transpose_lhs_hint = false} : vector<64x3072xf32>, vector<768x3072xf32>, vector<64x768xf32> -> vector<64x768xf32>
      %add3A_119 = vector.broadcast %get3A_43 : vector<1x768xf32> to vector<64x768xf32>
      %add3A_120 = arith.addf %dot_general3A_118, %add3A_119 : vector<64x768xf32>
      %get3A_121 = arith.index_cast %multiple_of3A : i32 to index
      %get3A_122 = arith.constant 0 : index
      %get3A_123 = vector.load %arg3[%get3A_121, %get3A_122] : memref<2560x128xf32, #tpu.memory_space<vmem>>, vector<64x1xf32>
      %mul3A_124 = vector.broadcast %get3A_123 : vector<64x1xf32> to vector<64x768xf32>
      %mul3A_125 = arith.mulf %add3A_120, %mul3A_124 : vector<64x768xf32>
      %swap3A = arith.index_cast %rem3A_79 : i32 to index
      %swap3A_126 = arith.constant 0 : index
      %swap3A_127 = arith.constant 0 : index
      %swap3A_128 = vector.load %arg10[%swap3A, %swap3A_126, %swap3A_127] : memref<2x64x768xf32, #tpu.memory_space<vmem>>, vector<1x64x768xf32>
      %swap3A_129 = vector.shape_cast %swap3A_128 : vector<1x64x768xf32> to vector<64x768xf32>
      %swap3A_130 = vector.shape_cast %mul3A_125 : vector<64x768xf32> to vector<1x64x768xf32>
      tpu.vector_store %arg10[%swap3A, %swap3A_126, %swap3A_127], %swap3A_130 {strides = array<i32>} : memref<2x64x768xf32, #tpu.memory_space<vmem>>, vector<1x64x768xf32>,
      %dma_start3A = tpu.memref_slice %arg12[%rem3A_79] : memref<2x!tpu.dma_semaphore, #tpu.memory_space<semaphore_mem>> -> memref<1x!tpu.dma_semaphore, #tpu.memory_space<semaphore_mem>>
      %dma_start3A_131 = tpu.memref_squeeze %dma_start3A : memref<1x!tpu.dma_semaphore, #tpu.memory_space<semaphore_mem>> -> memref<!tpu.dma_semaphore, #tpu.memory_space<semaphore_mem>>
      %dma_start3A_132 = arith.constant 0 : i32
      %dma_start3A_133 = tpu.memref_slice %arg8[%multiple_of3A, %dma_start3A_132] : memref<2560x768xf32, #tpu.memory_space<hbm>> -> memref<64x768xf32, #tpu.memory_space<hbm>>
      %dma_start3A_134 = arith.constant 0 : i32
      %dma_start3A_135 = arith.constant 0 : i32
      %dma_start3A_136 = tpu.memref_slice %arg10[%rem3A_79, %dma_start3A_134, %dma_start3A_135] : memref<2x64x768xf32, #tpu.memory_space<vmem>> -> memref<1x64x768xf32, #tpu.memory_space<vmem>>
      %dma_start3A_137 = tpu.memref_squeeze %dma_start3A_136 : memref<1x64x768xf32, #tpu.memory_space<vmem>> -> memref<64x768xf32, #tpu.memory_space<vmem>>
      tpu.enqueue_dma source(%dma_start3A_137 : memref<64x768xf32, #tpu.memory_space<vmem>>) target(%dma_start3A_133 : memref<64x768xf32, #tpu.memory_space<hbm>>) target_semaphore(%dma_start3A_131 : memref<!tpu.dma_semaphore, #tpu.memory_space<semaphore_mem>>)
    }
    %eq3A_55 = arith.constant 0 : i32
    %eq3A_56 = arith.cmpi eq, %select_n3A, %eq3A_55 : i32
    %convert_element_type3A_57 = arith.extui %eq3A_56 : i1 to i32
    %cond3A_58 = arith.constant 0 : i32
    %cond3A_59 = arith.cmpi ne, %convert_element_type3A_57, %cond3A_58 : i32
    scf.if %cond3A_59 {
      %dma_wait3A = arith.constant 0 : i32
      %dma_wait3A_75 = arith.constant 0 : i32
      %dma_wait3A_76 = tpu.memref_slice %arg11[%dma_wait3A_75] : memref<2x!tpu.dma_semaphore, #tpu.memory_space<semaphore_mem>> -> memref<1x!tpu.dma_semaphore, #tpu.memory_space<semaphore_mem>>
      %dma_wait3A_77 = tpu.memref_squeeze %dma_wait3A_76 : memref<1x!tpu.dma_semaphore, #tpu.memory_space<semaphore_mem>> -> memref<!tpu.dma_semaphore, #tpu.memory_space<semaphore_mem>>
      %dma_wait3A_78 = arith.constant 0 : i32
      %dma_wait3A_79 = arith.constant 0 : i32
      %dma_wait3A_80 = tpu.memref_slice %arg9[%dma_wait3A, %dma_wait3A_78, %dma_wait3A_79] : memref<2x64x768xf32, #tpu.memory_space<vmem>> -> memref<1x64x768xf32, #tpu.memory_space<vmem>>
      %dma_wait3A_81 = tpu.memref_squeeze %dma_wait3A_80 : memref<1x64x768xf32, #tpu.memory_space<vmem>> -> memref<64x768xf32, #tpu.memory_space<vmem>>
      %dma_wait3A_82 = arith.constant 0 : i32
      %dma_wait3A_83 = arith.constant 0 : i32
      %dma_wait3A_84 = tpu.memref_slice %arg2[%dma_wait3A_82, %dma_wait3A_83] : memref<2560x768xf32, #tpu.memory_space<hbm>> -> memref<64x768xf32, #tpu.memory_space<hbm>>
      tpu.wait_dma2 semaphore(%dma_wait3A_77 : memref<!tpu.dma_semaphore, #tpu.memory_space<semaphore_mem>>) src(%dma_wait3A_84 : memref<64x768xf32, #tpu.memory_space<hbm>>) dst(%dma_wait3A_81 : memref<64x768xf32, #tpu.memory_space<vmem>>)
    } else {
    }
    %ge3A = arith.constant 1 : i32
    %ge3A_60 = arith.cmpi sge, %select_n3A, %ge3A : i32
    %convert_element_type3A_61 = arith.extui %ge3A_60 : i1 to i32
    %cond3A_62 = arith.constant 0 : i32
    %cond3A_63 = arith.cmpi ne, %convert_element_type3A_61, %cond3A_62 : i32
    scf.if %cond3A_63 {
      %sub3A_75 = arith.constant 1 : i32
      %sub3A_76 = arith.subi %select_n3A, %sub3A_75 : i32
      %rem3A_77 = arith.constant 2 : i32
      %rem3A_78 = arith.remsi %sub3A_76, %rem3A_77 : i32
      %dma_wait3A = tpu.memref_slice %arg12[%rem3A_78] : memref<2x!tpu.dma_semaphore, #tpu.memory_space<semaphore_mem>> -> memref<1x!tpu.dma_semaphore, #tpu.memory_space<semaphore_mem>>
      %dma_wait3A_79 = tpu.memref_squeeze %dma_wait3A : memref<1x!tpu.dma_semaphore, #tpu.memory_space<semaphore_mem>> -> memref<!tpu.dma_semaphore, #tpu.memory_space<semaphore_mem>>
      %dma_wait3A_80 = arith.constant 0 : i32
      %dma_wait3A_81 = arith.constant 0 : i32
      %dma_wait3A_82 = tpu.memref_slice %arg8[%dma_wait3A_80, %dma_wait3A_81] : memref<2560x768xf32, #tpu.memory_space<hbm>> -> memref<64x768xf32, #tpu.memory_space<hbm>>
      %dma_wait3A_83 = arith.constant 0 : i32
      %dma_wait3A_84 = arith.constant 0 : i32
      %dma_wait3A_85 = tpu.memref_slice %arg10[%rem3A_78, %dma_wait3A_83, %dma_wait3A_84] : memref<2x64x768xf32, #tpu.memory_space<vmem>> -> memref<1x64x768xf32, #tpu.memory_space<vmem>>
      %dma_wait3A_86 = tpu.memref_squeeze %dma_wait3A_85 : memref<1x64x768xf32, #tpu.memory_space<vmem>> -> memref<64x768xf32, #tpu.memory_space<vmem>>
      tpu.wait_dma2 semaphore(%dma_wait3A_79 : memref<!tpu.dma_semaphore, #tpu.memory_space<semaphore_mem>>) src(%dma_wait3A_86 : memref<64x768xf32, #tpu.memory_space<vmem>>) dst(%dma_wait3A_82 : memref<64x768xf32, #tpu.memory_space<hbm>>)
    } else {
    }
    %ge3A_64 = arith.constant 2 : i32
    %ge3A_65 = arith.cmpi sge, %select_n3A, %ge3A_64 : i32
    %convert_element_type3A_66 = arith.extui %ge3A_65 : i1 to i32
    %cond3A_67 = arith.constant 0 : i32
    %cond3A_68 = arith.cmpi ne, %convert_element_type3A_66, %cond3A_67 : i32
    scf.if %cond3A_68 {
      %sub3A_75 = arith.constant 2 : i32
      %sub3A_76 = arith.subi %select_n3A, %sub3A_75 : i32
      %rem3A_77 = arith.constant 2 : i32
      %rem3A_78 = arith.remsi %sub3A_76, %rem3A_77 : i32
      %dma_wait3A = tpu.memref_slice %arg12[%rem3A_78] : memref<2x!tpu.dma_semaphore, #tpu.memory_space<semaphore_mem>> -> memref<1x!tpu.dma_semaphore, #tpu.memory_space<semaphore_mem>>
      %dma_wait3A_79 = tpu.memref_squeeze %dma_wait3A : memref<1x!tpu.dma_semaphore, #tpu.memory_space<semaphore_mem>> -> memref<!tpu.dma_semaphore, #tpu.memory_space<semaphore_mem>>
      %dma_wait3A_80 = arith.constant 0 : i32
      %dma_wait3A_81 = arith.constant 0 : i32
      %dma_wait3A_82 = tpu.memref_slice %arg8[%dma_wait3A_80, %dma_wait3A_81] : memref<2560x768xf32, #tpu.memory_space<hbm>> -> memref<64x768xf32, #tpu.memory_space<hbm>>
      %dma_wait3A_83 = arith.constant 0 : i32
      %dma_wait3A_84 = arith.constant 0 : i32
      %dma_wait3A_85 = tpu.memref_slice %arg10[%rem3A_78, %dma_wait3A_83, %dma_wait3A_84] : memref<2x64x768xf32, #tpu.memory_space<vmem>> -> memref<1x64x768xf32, #tpu.memory_space<vmem>>
      %dma_wait3A_86 = tpu.memref_squeeze %dma_wait3A_85 : memref<1x64x768xf32, #tpu.memory_space<vmem>> -> memref<64x768xf32, #tpu.memory_space<vmem>>
      tpu.wait_dma2 semaphore(%dma_wait3A_79 : memref<!tpu.dma_semaphore, #tpu.memory_space<semaphore_mem>>) src(%dma_wait3A_86 : memref<64x768xf32, #tpu.memory_space<vmem>>) dst(%dma_wait3A_82 : memref<64x768xf32, #tpu.memory_space<hbm>>)
    } else {
    }
    %add3A_69 = arith.constant 1 : i32
    %add3A_70 = arith.addi %arg0, %add3A_69 : i32
    %lt3A = arith.constant 64 : i32
    %lt3A_71 = arith.cmpi slt, %add3A_70, %lt3A : i32
    %convert_element_type3A_72 = arith.extui %lt3A_71 : i1 to i32
    %cond3A_73 = arith.constant 0 : i32
    %cond3A_74 = arith.cmpi ne, %convert_element_type3A_72, %cond3A_73 : i32
    scf.if %cond3A_74 {
      %add3A_75 = arith.constant 1 : i32
      %add3A_76 = arith.addi %arg0, %add3A_75 : i32
      %get3A_77 = arith.constant 0 : index
      %get3A_78 = arith.index_cast %add3A_76 : i32 to index
      %get3A_79 = memref.load %arg1[%get3A_77, %get3A_78] : memref<2x64xi32, #tpu.memory_space<smem>>
      %multiple_of3A = tpu.assume_multiple %get3A_79, 8 : i32
      %dma_start3A = arith.constant 0 : i32
      %dma_start3A_80 = arith.constant 0 : i32
      %dma_start3A_81 = tpu.memref_slice %arg11[%dma_start3A_80] : memref<2x!tpu.dma_semaphore, #tpu.memory_space<semaphore_mem>> -> memref<1x!tpu.dma_semaphore, #tpu.memory_space<semaphore_mem>>
      %dma_start3A_82 = tpu.memref_squeeze %dma_start3A_81 : memref<1x!tpu.dma_semaphore, #tpu.memory_space<semaphore_mem>> -> memref<!tpu.dma_semaphore, #tpu.memory_space<semaphore_mem>>
      %dma_start3A_83 = arith.constant 0 : i32
      %dma_start3A_84 = arith.constant 0 : i32
      %dma_start3A_85 = tpu.memref_slice %arg9[%dma_start3A, %dma_start3A_83, %dma_start3A_84] : memref<2x64x768xf32, #tpu.memory_space<vmem>> -> memref<1x64x768xf32, #tpu.memory_space<vmem>>
      %dma_start3A_86 = tpu.memref_squeeze %dma_start3A_85 : memref<1x64x768xf32, #tpu.memory_space<vmem>> -> memref<64x768xf32, #tpu.memory_space<vmem>>
      %dma_start3A_87 = arith.constant 0 : i32
      %dma_start3A_88 = tpu.memref_slice %arg2[%multiple_of3A, %dma_start3A_87] : memref<2560x768xf32, #tpu.memory_space<hbm>> -> memref<64x768xf32, #tpu.memory_space<hbm>>
      tpu.enqueue_dma source(%dma_start3A_88 : memref<64x768xf32, #tpu.memory_space<hbm>>) target(%dma_start3A_86 : memref<64x768xf32, #tpu.memory_space<vmem>>) target_semaphore(%dma_start3A_82 : memref<!tpu.dma_semaphore, #tpu.memory_space<semaphore_mem>>)
    } else {
    }
    return
  }
  func.func @transform_0(%arg0: i32) -> (i32, i32) {
    %c0_i32 = arith.constant 0 : i32
    %c0_i32_0 = arith.constant 0 : i32
    %c0_i32_1 = arith.constant 0 : i32
    return %c0_i32, %c0_i32_0 : i32, i32
  }
  func.func @transform_2(%arg0: i32) -> (i32, i32) {
    %c0_i32 = arith.constant 0 : i32
    %c0_i32_0 = arith.constant 0 : i32
    %c0_i32_1 = arith.constant 0 : i32
    return %c0_i32, %c0_i32_0 : i32, i32
  }
  func.func @transform_3(%arg0: i32) -> (i32, i32, i32) {
    %c0_i32 = arith.constant 0 : i32
    %c0_i32_0 = arith.constant 0 : i32
    %c0_i32_1 = arith.constant 0 : i32
    return %arg0, %c0_i32, %c0_i32_0 : i32, i32, i32
  }
  func.func @transform_4(%arg0: i32) -> (i32, i32, i32) {
    %c0_i32 = arith.constant 0 : i32
    %c0_i32_0 = arith.constant 0 : i32
    %c0_i32_1 = arith.constant 0 : i32
    return %arg0, %c0_i32, %c0_i32_0 : i32, i32, i32
  }
  func.func @transform_5(%arg0: i32) -> (i32, i32, i32) {
    %c0_i32 = arith.constant 0 : i32
    %c0_i32_0 = arith.constant 0 : i32
    %c0_i32_1 = arith.constant 0 : i32
    return %arg0, %c0_i32, %c0_i32_0 : i32, i32, i32
  }
  func.func @transform_6(%arg0: i32) -> (i32, i32, i32) {
    %c0_i32 = arith.constant 0 : i32
    %c0_i32_0 = arith.constant 0 : i32
    %c0_i32_1 = arith.constant 0 : i32
    return %arg0, %c0_i32, %c0_i32_0 : i32, i32, i32
  }
}

</mosaic_0001>

<sc_bundles>
// kernel: kernel.6.cloned.1.call-start
scs
__scs_entry_jumppad:
0x0: {  	(pc) =	sbr.rel $0x88, $3  }
0x1: {  	(tag) =	ssettag $0x0;
	lr =	simm.s32 $0x1  }
0x2: {  	[smem:$0x3F9B] =	sst lr;
	_ =	strace $0xD0000000  }
0x3: {  	_ = 	snop  }
0x4: {  	_ = 	snop  }
0x5: {  	_ = 	snop  }
0x6: {  	_ = 	snop  }
0x7: {  	_ = 	snop  }
__scs_overlays_trampoline_lowered:
0x8: {  	[smem:$0x3FAA] =	sst s0  }
0x9: {  	[smem:$0x3FAB] =	sst s1  }
0xa: {  	[smem:$0x3FAC] =	sst s2  }
0xb: {  	[smem:$0x3FAD] =	sst s3  }
0xc: {  	[smem:$0x3FAE] =	sst s4  }
0xd: {  	[smem:$0x3FAF] =	sst s5  }
0xe: {  	[smem:$0x3FB0] =	sst s6  }
0xf: {  	[smem:$0x3FB1] =	sst s7  }
0x10: {  	[smem:$0x3FB2] =	sst s8  }
0x11: {  	[smem:$0x3FB3] =	sst s9;
	s0 =	simm.s32 @!p0 $0x0  }
0x12: {  	s1 =	sld [smem:$0x3F99];
	s0 =	simm.s32 @p0 $0x1  }
0x13: {  	[smem:$0x3FB4] =	sst s0;
	s0 =	simm.s32 @!p1 $0x0  }
0x14: {  	s2 =	sld [smem:$0x3F98];
	s0 =	simm.s32 @p1 $0x1  }
0x15: {  	[smem:$0x3FB5] =	sst s0;
	s0 =	simm.s32 @!p2 $0x0  }
0x16: {  	s3 =	sld [smem:$0x3FDB];
	s0 =	simm.s32 @p2 $0x1  }
0x17: {  	s4 =	simm.s32 $0x1BF5;
	[smem:$0x3FB7] =	sst s0  }
0x18: {  	s0 =	sld [smem:$0x3F9A];
	_ =	swait.ge [sflag:s4], $0x0  }
0x19: {  	s7 =	sld [smem:$0x3F9B]  }
0x1a: {  	s8 =	sadd.s32 $0xFFFFE003, lr  }
0x1b: {  	s9 =	sadd.s32 $0xFFFFFEF7, lr;
	s5 =	simm.s32 $0xFFFFFFFF;
	p2 =	slt.u32 s8, $0xFFFFF086  }
0x1c: {  	p1 =	slt.u32 s9, $0xF7A;
	s5 =	simm.s32 @!p2 $0x0  }
0x1d: {  	s5 =	simm.s32 @p1 $0x1;
	p0 =	seq.s32 s7, s2  }
0x1e: {  	s7 =	smul.u32 @!p0 $0xF7A, s2;
	p2 =	seq.s32 @!p0 s5, $0x0  }
0x1f: {  	s9 =	smul.u32 $0xF7A, s1;
	s8 =	simm.s32 @!p0 $0x1BF5;
	p2 =	por !p2, p0  }
0x20: {  	[sflag:s8] =	ssyncset.s32 @!p0 $0xFFFFF086;
	s6 =	sadd.s32 @!p0 s3, s7;
	s7 =	simm.s32 @!p0 $0x108  }
0x21: {  	s3 =	sadd.s32 s3, s9;
	s6 =	sadd.s32 @!p0 $0x88, s6;
	s7 =	simm.s32 @p2 $0x1082  }
0x22: {  	[simem:s7], [sflag:s8] =	dma.local @!p0 [hbm:s6], $0xF7A  }
0x23: {  	s9 =	sor.u32 $0xD0000000, s2;
	s6 =	simm.s32 $0x108;
	_ =	swait.ge @!p0 [sflag:s8], $0x0  }
0x24: {  	s3 =	sadd.s32 $0x88, s3;
	s6 =	simm.s32 @!p1 $0x1082;
	[sflag:s4] =	ssyncset.s32 $0xFFFFF086  }
0x25: {  	[simem:s6], [sflag:s4] =	dma.local [hbm:s3], $0xF7A  }
0x26: {  	[smem:$0x3F9B] =	sst s1;
	(tag) =	ssettag s2;
	_ =	strace s9  }
0x27: {  	s1 =	sld [smem:$0x3FAB]  }
0x28: {  	s2 =	sld [smem:$0x3FAC]  }
0x29: {  	s4 =	sld [smem:$0x3FAE]  }
0x2a: {  	p0 =	seq.s32 s5, $0x0;
	s5 =	sld [smem:$0x3FAF]  }
0x2b: {  	s6 =	sld [smem:$0x3FB0]  }
0x2c: {  	s7 =	sld [smem:$0x3FB1]  }
0x2d: {  	s3 =	simm.s32 $0x108;
	s8 =	sld [smem:$0x3FB2]  }
0x2e: {  	s3 =	simm.s32 @!p0 $0x1082;
	s9 =	sld [smem:$0x3FB3]  }
0x2f: {  	lr =	sadd.s32 s0, s3;
	s0 =	sld [smem:$0x3FAA]  }
0x30: {  	s3 =	sld [smem:$0x3FAD]  }
0x31: {  	[smem:$0x3FB6] =	sst s10  }
0x32: {  	s10 =	sld [smem:$0x3FB4];
	_ =	sdelay $0x3  }
0x33: {  	p0 =	seq.s32 s10, $0x1;
	s10 =	sld [smem:$0x3FB6];
	_ =	sdelay $0x3  }
0x34: {  	[smem:$0x3FB6] =	sst s10  }
0x35: {  	s10 =	sld [smem:$0x3FB5];
	_ =	sdelay $0x3  }
0x36: {  	p1 =	seq.s32 s10, $0x1;
	s10 =	sld [smem:$0x3FB6];
	_ =	sdelay $0x3  }
0x37: {  	[smem:$0x3FB6] =	sst s10  }
0x38: {  	s10 =	sld [smem:$0x3FB7]  }
0x39: {  	_ = 	snop;
	(pc) =	sbr.ind lr, $3  }
0x3a: {  	_ = 	snop  }
0x3b: {  	_ = 	snop  }
0x3c: {  	p2 =	seq.s32 s10, $0x1;
	s10 =	sld [smem:$0x3FB6]  }
0x3d: {  	_ =	shalt  }
0x3e: {  	_ =	shalt  }
0x3f: {  	_ =	shalt  }
0x40: {  	_ =	shalt  }
0x41: {  	_ =	shalt  }
0x42: {  	_ =	shalt  }
0x43: {  	_ =	shalt  }
0x44: {  	_ =	shalt  }
0x45: {  	_ =	shalt  }
0x46: {  	_ =	shalt  }
0x47: {  	_ =	shalt  }
0x48: {  	_ =	shalt  }
0x49: {  	_ =	shalt  }
0x4a: {  	_ =	shalt  }
0x4b: {  	_ =	shalt  }
0x4c: {  	_ =	shalt  }
0x4d: {  	_ =	shalt  }
0x4e: {  	_ =	shalt  }
0x4f: {  	_ =	shalt  }
0x50: {  	_ =	shalt  }
0x51: {  	_ =	shalt  }
0x52: {  	_ =	shalt  }
0x53: {  	_ =	shalt  }
0x54: {  	_ =	shalt  }
0x55: {  	_ =	shalt  }
0x56: {  	_ =	shalt  }
0x57: {  	_ =	shalt  }
0x58: {  	_ =	shalt  }
0x59: {  	_ =	shalt  }
0x5a: {  	_ =	shalt  }
0x5b: {  	_ =	shalt  }
0x5c: {  	_ =	shalt  }
0x5d: {  	_ =	shalt  }
0x5e: {  	_ =	shalt  }
0x5f: {  	_ =	shalt  }
0x60: {  	_ =	shalt  }
0x61: {  	_ =	shalt  }
0x62: {  	_ =	shalt  }
0x63: {  	_ =	shalt  }
0x64: {  	_ =	shalt  }
0x65: {  	_ =	shalt  }
0x66: {  	_ =	shalt  }
0x67: {  	_ =	shalt  }
0x68: {  	_ =	shalt  }
0x69: {  	_ =	shalt  }
0x6a: {  	_ =	shalt  }
0x6b: {  	_ =	shalt  }
0x6c: {  	_ =	shalt  }
0x6d: {  	_ =	shalt  }
0x6e: {  	_ =	shalt  }
0x6f: {  	_ =	shalt  }
0x70: {  	_ =	shalt  }
0x71: {  	_ =	shalt  }
0x72: {  	_ =	shalt  }
0x73: {  	_ =	shalt  }
0x74: {  	_ =	shalt  }
0x75: {  	_ =	shalt  }
0x76: {  	_ =	shalt  }
0x77: {  	_ =	shalt  }
0x78: {  	_ =	shalt  }
0x79: {  	_ =	shalt  }
0x7a: {  	_ =	shalt  }
0x7b: {  	_ =	shalt  }
0x7c: {  	_ =	shalt  }
0x7d: {  	_ =	shalt  }
0x7e: {  	_ =	shalt  }
0x7f: {  	_ =	shalt  }
0x80: {  	_ =	shalt  }
0x81: {  	_ =	shalt  }
0x82: {  	_ =	shalt  }
0x83: {  	_ =	shalt  }
0x84: {  	_ =	shalt  }
0x85: {  	_ =	shalt  }
0x86: {  	_ =	shalt  }
0x87: {  	_ =	shalt  }
.Lfunc_end0:
.L_simem_size_0:
called_computation_lowered:
.L_overlay_start_0:
0x88: {  	s2 =	sld [smem:$0x3FD9]  }
0x89: {  	s3 =	sld [smem:$0x3FFE];
	_ =	sdelay $0x1  }
0x8a: {  	s1 =	srdreg.scid  }
0x8b: {  	s0 =	sand.u32 $0x1, s1  }
0x8c: {  	s17 =	sshll.u32 s0, $0xA;
	s2 =	sadd.s32 s3, s2  }
0x8d: {  	s2 =	sadd.s32 s2, s17  }
0x8e: {  	[smem:$0x3FC2] =	sst s2  }
0x8f: {  	_ = 	snop  }
0x90: {  	s2 =	sld [smem:$0x3FC9]  }
0x91: {  	s18 =	sld [smem:$0x3FD0];
	(tm) =	ssettm $0x1  }
0x92: {  	s4 =	sld [smem:$0x3FFB];
	_ =	sdelay $0x3  }
0x93: {  	_ =	strace s4  }
0x94: {  	s4 =	sld [smem:$0x3FFC];
	_ =	sdelay $0x3  }
0x95: {  	_ =	strace s4  }
0x96: {  	s4 =	sld [smem:$0x3FFD];
	_ =	sdelay $0x3  }
0x97: {  	_ =	strace s4  }
0x98: {  	_ =	strace $0x8FFFFFFF  }
0x99: {  	s19 =	sld [smem:$0x3FDB];
	_ =	sdelay $0x1  }
0x9a: {  	s5 =	simm.s32 $_scs_section_size  }
0x9b: {  	s6 =	simm.s32 $_size__tile_overlayer_lowered;
	s7 =	simm.s32 $_tile_overlayer_lowered  }
0x9c: {  	s22 =	simm.s32 $0x1BFF;
	s21 =	sshll.u32 s7, $0x1;
	s4 =	sadd.s32 s5, s19  }
0x9d: {  	s8 =	simm.s32 $0x0;
	s20 =	sshll.u32 s6, $0x1;
	s6 =	sadd.s32 s21, s4  }
0x9e: {  	[timem:s8], [sflag:s22] =	dma.local [hbm:s6], s20  }
0x9f: {  	_ =	swait.ge [sflag:s22], s20  }
0xa0: {  	s5 =	ssub.s32 $0x0, s20;
	[sflag:s22] =	ssyncset.done $0x0  }
0xa1: {  	[sflag:s22] =	ssyncadd.s32 s5;
	_ =	sdelay $0x1  }
0xa2: {  	s23 =	simm.s32 $0x1B8B  }
0xa3: {  	_ =	swait.ge [sflag:s23], $0x1  }
0xa4: {  	[sflag:s23] =	ssyncset.done $0x0  }
0xa5: {  	s25 =	simm.s32 $0x1B8E;
	s24 =	sld [smem:$0x3FFE];
	[sflag:s23] =	ssyncadd.s32 $0xFFFFFFFF  }
0xa6: {  	s26 =	simm.s32 $execute0_lowered;
	[smem:$0x3FD2] =	sst s25  }
0xa7: {  	s6 =	sshll.u32 s26, $0x1;
	_ =	strace $0x80000046;
	[dreg:$0x1] =	wrdreg $0xFFFFFFFF  }
0xa8: {  	s28 =	simm.s32 $_size_execute0_lowered;
	s4 =	sadd.s32 s4, s6;
	[dreg:$0x0] =	wrdreg $0x0  }
0xa9: {  	s6 =	sshll.u32 s28, $0x1;
	[dreg:$0x2] =	wrdreg s4  }
0xaa: {  	[dreg:$0x3] =	wrdreg s6  }
0xab: {  	[dreg:$0x4] =	wrdreg $0xC0  }
0xac: {  	_ =	task [dreg:s8], $0x5FFFF  }
0xad: {  	[dreg:$0x1] =	wrdreg $0xFFFFFFFF  }
0xae: {  	[dreg:$0x0] =	wrdreg $0x60  }
0xaf: {  	[dreg:$0x2] =	wrdreg s2  }
0xb0: {  	[dreg:$0x3] =	wrdreg s24  }
0xb1: {  	[dreg:$0x4] =	wrdreg s18  }
0xb2: {  	[dreg:$0x5] =	wrdreg $0x9  }
0xb3: {  	_ =	task.clear_ibuf [dreg:s8], $0x6FFFF;
	_ =	strace $0x90000046  }
0xb4: {  	s29 =	simm.s32 $0x9;
	_ =	strace $0x80000048  }
0xb5: {  	_ =	swait.ge [sflag:s29], $0x1  }
0xb6: {  	[sflag:s29] =	ssyncadd.s32 $0xFFFFFFFF  }
0xb7: {  	_ =	strace $0x90000048  }
0xb8: {  	_ =	sfence  }
0xb9: {  	s30 =	sld [smem:$0x0];
	_ =	sdelay $0x2  }
0xba: {  	s31 =	sshll.u32 s1, $0xD;
	s1 =	sshrl.u32 s1, $0x2  }
0xbb: {  	s3 =	sand.u32 $0x4000, s31;
	s1 =	sadd.s32 s1, s30  }
0xbc: {  	s0 =	sor.u32 s3, s0;
	s1 =	sshll.u32 s1, $0x11  }
0xbd: {  	s0 =	sor.u32 s1, s0  }
0xbe: {  	s0 =	sadd.s32 $0x8F2B, s0  }
0xbf: {  	[sflag:s0] =	ssyncadd.remote.s32 $0x1  }
0xc0: {  	_ =	sfence.sel $0xFFFF  }
0xc1: {  	[dreg:$0x0] =	wrdreg $0xFFFFFFFF;
	(pc) =	sbr.abs _section_cstart, $3  }
0xc2: {  	[dreg:$0x1] =	wrdreg $0xFFFFFFFF  }
0xc3: {  	_ =	task.clear_ibuf [dreg:s8], $0x2FFFF;
	_ =	strace $0x9FFFFFFF  }
0xc4: {  	(tm) =	ssettm $0x7FFFFFFF  }
0xc5: {  	_ =	shalt  }
tec
execute0_lowered:
.L_overlay_start_1:
0x0: {  	(tag) =	ssettag $0x1  }
0x1: {  	s0 =	rddreg [dreg:$0x0]  }
0x2: {  	s5 =	rddreg [dreg:$0x1]  }
0x3: {  	s1 =	rddreg [dreg:$0x2];
	s2 =	srdreg.scid  }
0x4: {  	s21 =	stileid.u32;
	s24 =	simm.s32 $0x880;
	s25 =	simm.s32 $0x1080  }
0x5: {  	s26 =	simm.s32 $0x1880;
	s9 =	simm.s32 $0xC080;
	s11 =	simm.s32 $0x2880  }
0x6: {  	s12 =	simm.s32 $0x3080;
	s13 =	simm.s32 $0x3880;
	s14 =	simm.s32 $0x4080  }
0x7: {  	s15 =	simm.s32 $0x4880;
	s16 =	simm.s32 $0x5080;
	s17 =	simm.s32 $0x5880  }
0x8: {  	s18 =	simm.s32 $0x6080;
	s19 =	simm.s32 $0x6880;
	s20 =	simm.s32 $0x7080  }
0x9: {  	s28 =	simm.s32 $0xA880;
	s29 =	simm.s32 $0xB080;
	s30 =	simm.s32 $0xB880  }
0xa: {  	[dreg:$0x4] =	wrdreg s1;
	s4 =	sand.u32 $0x1, s2;
	s2 =	simm.s32 $0x0  }
0xb: {  	s31 =	simm.s32 $0x1;
	s3 =	sshll.u32 s21, $0x7;
	[smem:$0x7FF] =	sst s2  }
0xc: {  	s21 =	simm.s32 $0x7880;
	_ =	strace $0x80000047;
	[dreg:$0x8] =	wrdreg s24  }
0xd: {  	s6 =	sshll.u32 s4, $0x6;
	s4 =	ssub.s32 $0x2, s4;
	[dreg:$0x9] =	wrdreg s25  }
0xe: {  	s3 =	sor.u32 s6, s3;
	s22 =	sshrl.u32 s4, $0x1;
	[dreg:$0xa] =	wrdreg s26  }
0xf: {  	s24 =	simm.s32 $0x9080;
	s25 =	simm.s32 $0x9880;
	s6 =	sshrl.u32 s3, $0x3  }
0x10: {  	s26 =	simm.s32 $0xA080;
	s3 =	sshll.u32 s3, $0x4;
	s7 =	sadd.s32 s6, s5  }
0x11: {  	s6 =	smul.u32 $0x300, s6;
	s8 =	sadd.s32 s3, s5;
	s3 =	sadd.s32 $0x9A00, s5  }
0x12: {  	s7 =	sadd.s32 $0x9800, s7;
	s23 =	sadd.s32 $0x1600, s8;
	s8 =	simm.s32 $0x80  }
0x13: {  	[dreg:$0x5] =	wrdreg s7;
	s0 =	sadd.s32 s0, s6;
	s6 =	ssub.s32 s4, s22  }
0x14: {  	v2 =	vlaneseq.u32;
	[dreg:$0x7] =	wrdreg s23;
	s4 =	sadd.s32 $0x9B00, s5;
	s5 =	sadd.s32 $0x9C00, s5  }
0x15: {  	vm0 =	vmmov $0xffff;
	v1 =	vshrl.u32 v2, $0x3;
	s7 =	simm.s32 $0x2;
	s22 =	simm.s32 $0x8080;
	s23 =	simm.s32 $0x8880  }
0x16: {  	v0 =	vand.u32 $0x7, v2;
	v2 =	vor.u32 $0x8, v2;
	v1 =	vmul.u32 $0x8, v1;
	[dreg:$0x6] =	wrdreg s0;
	s6 =	smax.u32 s6, $0x1;
	s0 =	simm.s32 $0x40  }
.LBB2_1:
0x17: {  	s1 =	rddreg [dreg:$0x5]  }
0x18: {  	[tilespmem:s2], [sflag:$0x2] =	stream.linear.gather [hbm4b:s1+s2], $0x40, $0x38;
	[tilespmem:$0xE080] =	vst v63  }
0x19: {  	_ =	swait.ge [sflag:s7], $0x40  }
0x1a: {  	[sflag:s7] =	ssyncset.done $0x0  }
0x1b: {  	s10 =	rddreg [dreg:$0x6];
	[sflag:s7] =	ssyncadd.s32 $0xFFFFFFC0  }
0x1c: {  	[tilespmem:s8], [sflag:$0x2] =	stream.linear.gather [hbm4b:s10+s2], $0xC000, $0x38;
	[tilespmem:$0xE080] =	vst v63  }
0x1d: {  	_ =	swait.ge [sflag:s7], $0xC000  }
0x1e: {  	[sflag:s7] =	ssyncset.done $0x0  }
0x1f: {  	s10 =	rddreg [dreg:$0x7];
	[sflag:s7] =	ssyncadd.s32 $0xFFFF4000  }
0x20: {  	[tilespmem:s9], [sflag:$0x2] =	stream.linear.gather [hbm4b:s10+s2], $0x2000, $0x38;
	[tilespmem:$0xE080] =	vst v63  }
0x21: {  	_ =	swait.ge [sflag:s7], $0x2000  }
0x22: {  	[sflag:s7] =	ssyncset.done $0x0  }
0x23: {  	[sflag:s7] =	ssyncadd.s32 $0xFFFFE000  }
0x24: {  	v3 =	vld [tilespmem:$0x0];
	_ =	sdelay $0x4  }
0x25: {  	v4 =	vshrl.u32 v3, $0x3  }
0x26: {  	v4 =	vmul.u32 $0x30, v4  }
0x27: {  	v3 =	vand.u32 $0x7, v3  }
0x28: {  	v3 =	vor.u32 v3, v4  }
0x29: {  	v4 =	vperm.xlane v3, v0;
	_ =	sdelay $0x1  }
0x2a: {  	v4 =	vadd.s32 v1, v4;
	_ =	sdelay $0x3  }
0x2b: {  	v3 =	vperm.xlane v3, v2  }
0x2c: {  	[hbm4b:s3+s2] =	stream.indirect_vreg.scatter [tilespmem:s8], [sflag:$0x1], $0x80, v4, vm0, $0xb8;
	[tilespmem:$0xE080] =	vst v63  }
0x2d: {  	s1 =	rddreg [dreg:$0x8];
	v3 =	vadd.s32 v1, v3  }
0x2e: {  	[hbm4b:s4+s2] =	stream.indirect_vreg.scatter [tilespmem:s1], [sflag:$0x1], $0x80, v4, vm0, $0xb8;
	[tilespmem:$0xE080] =	vst v63  }
0x2f: {  	s10 =	rddreg [dreg:$0x9]  }
0x30: {  	[hbm4b:s5+s2] =	stream.indirect_vreg.scatter [tilespmem:s10], [sflag:$0x1], $0x80, v4, vm0, $0xb8;
	[tilespmem:$0xE080] =	vst v63  }
0x31: {  	s1 =	rddreg [dreg:$0xa]  }
0x32: {  	[hbm4b:s3+s2] =	stream.indirect_vreg.scatter [tilespmem:s1], [sflag:$0x1], $0x80, v3, vm0, $0xb8;
	[tilespmem:$0xE080] =	vst v63  }
0x33: {  	s10 =	simm.s32 $0x2080  }
0x34: {  	[hbm4b:s4+s2] =	stream.indirect_vreg.scatter [tilespmem:s10], [sflag:$0x1], $0x80, v3, vm0, $0xb8;
	[tilespmem:$0xE080] =	vst v63  }
0x35: {  	_ = 	snop  }
0x36: {  	[hbm4b:s5+s2] =	stream.indirect_vreg.scatter [tilespmem:s11], [sflag:$0x1], $0x80, v3, vm0, $0xb8;
	[tilespmem:$0xE080] =	vst v63  }
0x37: {  	v3 =	vld [tilespmem:$0x10];
	_ =	sdelay $0x4  }
0x38: {  	v61 =	vshrl.u32 v3, $0x3  }
0x39: {  	v4 =	vmul.u32 $0x30, v61  }
0x3a: {  	v3 =	vand.u32 $0x7, v3  }
0x3b: {  	v3 =	vor.u32 v3, v4  }
0x3c: {  	v4 =	vperm.xlane v3, v0;
	_ =	sdelay $0x1  }
0x3d: {  	v4 =	vadd.s32 v1, v4;
	_ =	sdelay $0x3  }
0x3e: {  	v3 =	vperm.xlane v3, v2  }
0x3f: {  	[hbm4b:s3+s2] =	stream.indirect_vreg.scatter [tilespmem:s12], [sflag:$0x1], $0x80, v4, vm0, $0xb8;
	[tilespmem:$0xE080] =	vst v63  }
0x40: {  	v3 =	vadd.s32 v1, v3  }
0x41: {  	[hbm4b:s4+s2] =	stream.indirect_vreg.scatter [tilespmem:s13], [sflag:$0x1], $0x80, v4, vm0, $0xb8;
	[tilespmem:$0xE080] =	vst v63  }
0x42: {  	_ = 	snop  }
0x43: {  	[hbm4b:s5+s2] =	stream.indirect_vreg.scatter [tilespmem:s14], [sflag:$0x1], $0x80, v4, vm0, $0xb8;
	[tilespmem:$0xE080] =	vst v63  }
0x44: {  	_ = 	snop  }
0x45: {  	[hbm4b:s3+s2] =	stream.indirect_vreg.scatter [tilespmem:s15], [sflag:$0x1], $0x80, v3, vm0, $0xb8;
	[tilespmem:$0xE080] =	vst v63  }
0x46: {  	_ = 	snop  }
0x47: {  	[hbm4b:s4+s2] =	stream.indirect_vreg.scatter [tilespmem:s16], [sflag:$0x1], $0x80, v3, vm0, $0xb8;
	[tilespmem:$0xE080] =	vst v63  }
0x48: {  	_ = 	snop  }
0x49: {  	[hbm4b:s5+s2] =	stream.indirect_vreg.scatter [tilespmem:s17], [sflag:$0x1], $0x80, v3, vm0, $0xb8;
	[tilespmem:$0xE080] =	vst v63  }
0x4a: {  	v3 =	vld [tilespmem:$0x20];
	_ =	sdelay $0x4  }
0x4b: {  	v62 =	vshrl.u32 v3, $0x3  }
0x4c: {  	v4 =	vmul.u32 $0x30, v62  }
0x4d: {  	v3 =	vand.u32 $0x7, v3  }
0x4e: {  	v3 =	vor.u32 v3, v4  }
0x4f: {  	v4 =	vperm.xlane v3, v0;
	_ =	sdelay $0x1  }
0x50: {  	v4 =	vadd.s32 v1, v4;
	_ =	sdelay $0x3  }
0x51: {  	v3 =	vperm.xlane v3, v2  }
0x52: {  	[hbm4b:s3+s2] =	stream.indirect_vreg.scatter [tilespmem:s18], [sflag:$0x1], $0x80, v4, vm0, $0xb8;
	[tilespmem:$0xE080] =	vst v63  }
0x53: {  	v3 =	vadd.s32 v1, v3  }
0x54: {  	[hbm4b:s4+s2] =	stream.indirect_vreg.scatter [tilespmem:s19], [sflag:$0x1], $0x80, v4, vm0, $0xb8;
	[tilespmem:$0xE080] =	vst v63  }
0x55: {  	_ = 	snop  }
0x56: {  	[hbm4b:s5+s2] =	stream.indirect_vreg.scatter [tilespmem:s20], [sflag:$0x1], $0x80, v4, vm0, $0xb8;
	[tilespmem:$0xE080] =	vst v63  }
0x57: {  	_ = 	snop  }
0x58: {  	[hbm4b:s3+s2] =	stream.indirect_vreg.scatter [tilespmem:s21], [sflag:$0x1], $0x80, v3, vm0, $0xb8;
	[tilespmem:$0xE080] =	vst v63  }
0x59: {  	_ = 	snop  }
0x5a: {  	[hbm4b:s4+s2] =	stream.indirect_vreg.scatter [tilespmem:s22], [sflag:$0x1], $0x80, v3, vm0, $0xb8;
	[tilespmem:$0xE080] =	vst v63  }
0x5b: {  	_ = 	snop  }
0x5c: {  	[hbm4b:s5+s2] =	stream.indirect_vreg.scatter [tilespmem:s23], [sflag:$0x1], $0x80, v3, vm0, $0xb8;
	[tilespmem:$0xE080] =	vst v63  }
0x5d: {  	v3 =	vld [tilespmem:$0x30];
	_ =	sdelay $0x4  }
0x5e: {  	v63 =	vshrl.u32 v3, $0x3  }
0x5f: {  	v4 =	vmul.u32 $0x30, v63  }
0x60: {  	v3 =	vand.u32 $0x7, v3  }
0x61: {  	v3 =	vor.u32 v3, v4  }
0x62: {  	v4 =	vperm.xlane v3, v0;
	_ =	sdelay $0x1  }
0x63: {  	v4 =	vadd.s32 v1, v4;
	_ =	sdelay $0x3  }
0x64: {  	v3 =	vperm.xlane v3, v2  }
0x65: {  	[hbm4b:s3+s2] =	stream.indirect_vreg.scatter [tilespmem:s24], [sflag:$0x1], $0x80, v4, vm0, $0xb8;
	[tilespmem:$0xE080] =	vst v63  }
0x66: {  	v3 =	vadd.s32 v1, v3  }
0x67: {  	[hbm4b:s4+s2] =	stream.indirect_vreg.scatter [tilespmem:s25], [sflag:$0x1], $0x80, v4, vm0, $0xb8;
	[tilespmem:$0xE080] =	vst v63  }
0x68: {  	_ = 	snop  }
0x69: {  	[hbm4b:s5+s2] =	stream.indirect_vreg.scatter [tilespmem:s26], [sflag:$0x1], $0x80, v4, vm0, $0xb8;
	[tilespmem:$0xE080] =	vst v63  }
0x6a: {  	_ = 	snop  }
0x6b: {  	[hbm4b:s3+s2] =	stream.indirect_vreg.scatter [tilespmem:s28], [sflag:$0x1], $0x80, v3, vm0, $0xb8;
	[tilespmem:$0xE080] =	vst v63  }
0x6c: {  	_ = 	snop  }
0x6d: {  	[hbm4b:s4+s2] =	stream.indirect_vreg.scatter [tilespmem:s29], [sflag:$0x1], $0x80, v3, vm0, $0xb8;
	[tilespmem:$0xE080] =	vst v63  }
0x6e: {  	_ = 	snop  }
0x6f: {  	[hbm4b:s5+s2] =	stream.indirect_vreg.scatter [tilespmem:s30], [sflag:$0x1], $0x80, v3, vm0, $0xb8;
	[tilespmem:$0xE080] =	vst v63  }
0x70: {  	_ =	swait.ge [sflag:s31], $0xC000  }
0x71: {  	p0 =	sne.s32 s6, $0x1;
	[sflag:s31] =	ssyncset.done $0x0  }
.Ltmp0:
0x72: {  	s10 =	rddreg [dreg:$0x4];
	[sflag:s31] =	ssyncadd.s32 $0xFFFF4000;
	(pc) =	sbr.rel @p0 .LBB2_1-.Ltmp0, $4  }
0x73: {  	[hbm4b:s10+s0] =	stream.indirect.scatter [tilespmem:s9], [sflag:$0x1], $0x80, s2, s0, $0xb8;
	[tilespmem:$0xE080] =	vst v63  }
0x74: {  	_ =	swait.ge [sflag:s31], $0x2000  }
0x75: {  	[sflag:s31] =	ssyncset.done $0x0  }
0x76: {  	s6 =	sadd.s32 $0xFFFFFFFF, s6;
	[sflag:s31] =	ssyncadd.s32 $0xFFFFE000  }
0x77: {  	_ =	sfence.sel $0x180000  }
0x78: {  	[bflag:$0x0] =	sbarrier.arrive $0xFFFF  }
0x79: {  	_ =	strace $0x90000047  }
0x7a: {  	s0 =	stileid.u32;
	[bflag:$0x2] =	sbarrier.arrive $0xFFFF  }
0x7b: {  	p0 =	sne.s32 s0, $0x0;
	s0 =	rddreg [dreg:$0x3]  }
0x7c: {  	s0 =	sadd.s32 @!p0 $0x100000, s0  }
0x7d: {  	[sflag:s0] =	ssyncadd.tile.s32 @!p0 $0x1;
	_ =	shalt  }
.Lfunc_end2:
_tile_overlayer_lowered:
.L_overlay_start_2:
0x7e: {  	(tag) =	ssettag $0x2  }
0x7f: {  	s0 =	rddreg [dreg:$0x0];
	s2 =	stileid.u32  }
0x80: {  	s1 =	rddreg [dreg:$0x1];
	p0 =	sne.s32 s2, $0x0  }
0x81: {  	s3 =	rddreg [dreg:$0x2];
	[bflag:$0x3] =	sbarrier.arrive $0xFFFF;
	s2 =	simm.s32 @!p0 $0x1C02  }
0x82: {  	[timem:s3], [sflag:s2] =	dma.local @!p0 [hbm:s0], s1  }
0x83: {  	s0 =	simm.s32 @!p0 $0x2  }
0x84: {  	_ =	swait.ge @!p0 [sflag:s0], s1  }
0x85: {  	s1 =	ssub.s32 @!p0 $0x0, s1;
	[sflag:s0] =	ssyncset.done @!p0 $0x0  }
0x86: {  	[sflag:s0] =	ssyncadd.s32 @!p0 s1  }
0x87: {  	[bflag:$0x3] =	sbarrier.arrive $0xFFFF  }
0x88: {  	_ =	shalt  }

// kernel: kernel.9.cloned.1.call-start
scs
__scs_entry_jumppad:
0x0: {  	(pc) =	sbr.rel $0x88, $3  }
0x1: {  	(tag) =	ssettag $0x0;
	lr =	simm.s32 $0x1  }
0x2: {  	[smem:$0x3F9B] =	sst lr;
	_ =	strace $0xD0000000  }
0x3: {  	_ = 	snop  }
0x4: {  	_ = 	snop  }
0x5: {  	_ = 	snop  }
0x6: {  	_ = 	snop  }
0x7: {  	_ = 	snop  }
__scs_overlays_trampoline_lowered:
0x8: {  	[smem:$0x3FAA] =	sst s0  }
0x9: {  	[smem:$0x3FAB] =	sst s1  }
0xa: {  	[smem:$0x3FAC] =	sst s2  }
0xb: {  	[smem:$0x3FAD] =	sst s3  }
0xc: {  	[smem:$0x3FAE] =	sst s4  }
0xd: {  	[smem:$0x3FAF] =	sst s5  }
0xe: {  	[smem:$0x3FB0] =	sst s6  }
0xf: {  	[smem:$0x3FB1] =	sst s7  }
0x10: {  	[smem:$0x3FB2] =	sst s8  }
0x11: {  	[smem:$0x3FB3] =	sst s9;
	s0 =	simm.s32 @!p0 $0x0  }
0x12: {  	s1 =	sld [smem:$0x3F99];
	s0 =	simm.s32 @p0 $0x1  }
0x13: {  	[smem:$0x3FB4] =	sst s0;
	s0 =	simm.s32 @!p1 $0x0  }
0x14: {  	s2 =	sld [smem:$0x3F98];
	s0 =	simm.s32 @p1 $0x1  }
0x15: {  	[smem:$0x3FB5] =	sst s0;
	s0 =	simm.s32 @!p2 $0x0  }
0x16: {  	s3 =	sld [smem:$0x3FDB];
	s0 =	simm.s32 @p2 $0x1  }
0x17: {  	s4 =	simm.s32 $0x1BF5;
	[smem:$0x3FB7] =	sst s0  }
0x18: {  	s0 =	sld [smem:$0x3F9A];
	_ =	swait.ge [sflag:s4], $0x0  }
0x19: {  	s7 =	sld [smem:$0x3F9B]  }
0x1a: {  	s8 =	sadd.s32 $0xFFFFE003, lr  }
0x1b: {  	s9 =	sadd.s32 $0xFFFFFEF7, lr;
	s5 =	simm.s32 $0xFFFFFFFF;
	p2 =	slt.u32 s8, $0xFFFFF086  }
0x1c: {  	p1 =	slt.u32 s9, $0xF7A;
	s5 =	simm.s32 @!p2 $0x0  }
0x1d: {  	s5 =	simm.s32 @p1 $0x1;
	p0 =	seq.s32 s7, s2  }
0x1e: {  	s7 =	smul.u32 @!p0 $0xF7A, s2;
	p2 =	seq.s32 @!p0 s5, $0x0  }
0x1f: {  	s9 =	smul.u32 $0xF7A, s1;
	s8 =	simm.s32 @!p0 $0x1BF5;
	p2 =	por !p2, p0  }
0x20: {  	[sflag:s8] =	ssyncset.s32 @!p0 $0xFFFFF086;
	s6 =	sadd.s32 @!p0 s3, s7;
	s7 =	simm.s32 @!p0 $0x108  }
0x21: {  	s3 =	sadd.s32 s3, s9;
	s6 =	sadd.s32 @!p0 $0x88, s6;
	s7 =	simm.s32 @p2 $0x1082  }
0x22: {  	[simem:s7], [sflag:s8] =	dma.local @!p0 [hbm:s6], $0xF7A  }
0x23: {  	s9 =	sor.u32 $0xD0000000, s2;
	s6 =	simm.s32 $0x108;
	_ =	swait.ge @!p0 [sflag:s8], $0x0  }
0x24: {  	s3 =	sadd.s32 $0x88, s3;
	s6 =	simm.s32 @!p1 $0x1082;
	[sflag:s4] =	ssyncset.s32 $0xFFFFF086  }
0x25: {  	[simem:s6], [sflag:s4] =	dma.local [hbm:s3], $0xF7A  }
0x26: {  	[smem:$0x3F9B] =	sst s1;
	(tag) =	ssettag s2;
	_ =	strace s9  }
0x27: {  	s1 =	sld [smem:$0x3FAB]  }
0x28: {  	s2 =	sld [smem:$0x3FAC]  }
0x29: {  	s4 =	sld [smem:$0x3FAE]  }
0x2a: {  	p0 =	seq.s32 s5, $0x0;
	s5 =	sld [smem:$0x3FAF]  }
0x2b: {  	s6 =	sld [smem:$0x3FB0]  }
0x2c: {  	s7 =	sld [smem:$0x3FB1]  }
0x2d: {  	s3 =	simm.s32 $0x108;
	s8 =	sld [smem:$0x3FB2]  }
0x2e: {  	s3 =	simm.s32 @!p0 $0x1082;
	s9 =	sld [smem:$0x3FB3]  }
0x2f: {  	lr =	sadd.s32 s0, s3;
	s0 =	sld [smem:$0x3FAA]  }
0x30: {  	s3 =	sld [smem:$0x3FAD]  }
0x31: {  	[smem:$0x3FB6] =	sst s10  }
0x32: {  	s10 =	sld [smem:$0x3FB4];
	_ =	sdelay $0x3  }
0x33: {  	p0 =	seq.s32 s10, $0x1;
	s10 =	sld [smem:$0x3FB6];
	_ =	sdelay $0x3  }
0x34: {  	[smem:$0x3FB6] =	sst s10  }
0x35: {  	s10 =	sld [smem:$0x3FB5];
	_ =	sdelay $0x3  }
0x36: {  	p1 =	seq.s32 s10, $0x1;
	s10 =	sld [smem:$0x3FB6];
	_ =	sdelay $0x3  }
0x37: {  	[smem:$0x3FB6] =	sst s10  }
0x38: {  	s10 =	sld [smem:$0x3FB7]  }
0x39: {  	_ = 	snop;
	(pc) =	sbr.ind lr, $3  }
0x3a: {  	_ = 	snop  }
0x3b: {  	_ = 	snop  }
0x3c: {  	p2 =	seq.s32 s10, $0x1;
	s10 =	sld [smem:$0x3FB6]  }
0x3d: {  	_ =	shalt  }
0x3e: {  	_ =	shalt  }
0x3f: {  	_ =	shalt  }
0x40: {  	_ =	shalt  }
0x41: {  	_ =	shalt  }
0x42: {  	_ =	shalt  }
0x43: {  	_ =	shalt  }
0x44: {  	_ =	shalt  }
0x45: {  	_ =	shalt  }
0x46: {  	_ =	shalt  }
0x47: {  	_ =	shalt  }
0x48: {  	_ =	shalt  }
0x49: {  	_ =	shalt  }
0x4a: {  	_ =	shalt  }
0x4b: {  	_ =	shalt  }
0x4c: {  	_ =	shalt  }
0x4d: {  	_ =	shalt  }
0x4e: {  	_ =	shalt  }
0x4f: {  	_ =	shalt  }
0x50: {  	_ =	shalt  }
0x51: {  	_ =	shalt  }
0x52: {  	_ =	shalt  }
0x53: {  	_ =	shalt  }
0x54: {  	_ =	shalt  }
0x55: {  	_ =	shalt  }
0x56: {  	_ =	shalt  }
0x57: {  	_ =	shalt  }
0x58: {  	_ =	shalt  }
0x59: {  	_ =	shalt  }
0x5a: {  	_ =	shalt  }
0x5b: {  	_ =	shalt  }
0x5c: {  	_ =	shalt  }
0x5d: {  	_ =	shalt  }
0x5e: {  	_ =	shalt  }
0x5f: {  	_ =	shalt  }
0x60: {  	_ =	shalt  }
0x61: {  	_ =	shalt  }
0x62: {  	_ =	shalt  }
0x63: {  	_ =	shalt  }
0x64: {  	_ =	shalt  }
0x65: {  	_ =	shalt  }
0x66: {  	_ =	shalt  }
0x67: {  	_ =	shalt  }
0x68: {  	_ =	shalt  }
0x69: {  	_ =	shalt  }
0x6a: {  	_ =	shalt  }
0x6b: {  	_ =	shalt  }
0x6c: {  	_ =	shalt  }
0x6d: {  	_ =	shalt  }
0x6e: {  	_ =	shalt  }
0x6f: {  	_ =	shalt  }
0x70: {  	_ =	shalt  }
0x71: {  	_ =	shalt  }
0x72: {  	_ =	shalt  }
0x73: {  	_ =	shalt  }
0x74: {  	_ =	shalt  }
0x75: {  	_ =	shalt  }
0x76: {  	_ =	shalt  }
0x77: {  	_ =	shalt  }
0x78: {  	_ =	shalt  }
0x79: {  	_ =	shalt  }
0x7a: {  	_ =	shalt  }
0x7b: {  	_ =	shalt  }
0x7c: {  	_ =	shalt  }
0x7d: {  	_ =	shalt  }
0x7e: {  	_ =	shalt  }
0x7f: {  	_ =	shalt  }
0x80: {  	_ =	shalt  }
0x81: {  	_ =	shalt  }
0x82: {  	_ =	shalt  }
0x83: {  	_ =	shalt  }
0x84: {  	_ =	shalt  }
0x85: {  	_ =	shalt  }
0x86: {  	_ =	shalt  }
0x87: {  	_ =	shalt  }
.Lfunc_end0:
.L_simem_size_0:
called_computation.1_lowered:
.L_overlay_start_0:
0x88: {  	s2 =	sld [smem:$0x3FD9]  }
0x89: {  	s3 =	sld [smem:$0x3FFE];
	_ =	sdelay $0x1  }
0x8a: {  	s1 =	srdreg.scid  }
0x8b: {  	s0 =	sand.u32 $0x1, s1  }
0x8c: {  	s17 =	sshll.u32 s0, $0xA;
	s2 =	sadd.s32 s3, s2  }
0x8d: {  	s2 =	sadd.s32 s2, s17  }
0x8e: {  	[smem:$0x3FC2] =	sst s2  }
0x8f: {  	_ = 	snop  }
0x90: {  	s2 =	sld [smem:$0x3FD0];
	(tm) =	ssettm $0x1  }
0x91: {  	s18 =	sld [smem:$0x3FFB];
	_ =	sdelay $0x3  }
0x92: {  	_ =	strace s18  }
0x93: {  	s3 =	sld [smem:$0x3FFC];
	_ =	sdelay $0x3  }
0x94: {  	_ =	strace s3  }
0x95: {  	s3 =	sld [smem:$0x3FFD];
	_ =	sdelay $0x3  }
0x96: {  	_ =	strace s3  }
0x97: {  	_ =	strace $0x8FFFFFFF  }
0x98: {  	s19 =	sld [smem:$0x3FDB];
	_ =	sdelay $0x1  }
0x99: {  	s4 =	simm.s32 $_scs_section_size  }
0x9a: {  	s5 =	simm.s32 $_size__tile_overlayer_lowered;
	s6 =	simm.s32 $_tile_overlayer_lowered  }
0x9b: {  	s22 =	simm.s32 $0x1BFF;
	s21 =	sshll.u32 s6, $0x1;
	s3 =	sadd.s32 s4, s19  }
0x9c: {  	s7 =	simm.s32 $0x0;
	s20 =	sshll.u32 s5, $0x1;
	s5 =	sadd.s32 s21, s3  }
0x9d: {  	[timem:s7], [sflag:s22] =	dma.local [hbm:s5], s20  }
0x9e: {  	_ =	swait.ge [sflag:s22], s20  }
0x9f: {  	s4 =	ssub.s32 $0x0, s20;
	[sflag:s22] =	ssyncset.done $0x0  }
0xa0: {  	[sflag:s22] =	ssyncadd.s32 s4;
	_ =	sdelay $0x1  }
0xa1: {  	s23 =	simm.s32 $0x1B8B  }
0xa2: {  	_ =	swait.ge [sflag:s23], $0x1  }
0xa3: {  	[sflag:s23] =	ssyncset.done $0x0  }
0xa4: {  	s25 =	simm.s32 $0x1B8E;
	s24 =	sld [smem:$0x3FFE];
	[sflag:s23] =	ssyncadd.s32 $0xFFFFFFFF  }
0xa5: {  	s26 =	simm.s32 $execute0_lowered;
	[smem:$0x3FD2] =	sst s25  }
0xa6: {  	s5 =	sshll.u32 s26, $0x1;
	_ =	strace $0x80000049;
	[dreg:$0x1] =	wrdreg $0xFFFFFFFF  }
0xa7: {  	s28 =	simm.s32 $_size_execute0_lowered;
	s3 =	sadd.s32 s3, s5;
	[dreg:$0x0] =	wrdreg $0x0  }
0xa8: {  	s5 =	sshll.u32 s28, $0x1;
	[dreg:$0x2] =	wrdreg s3  }
0xa9: {  	[dreg:$0x3] =	wrdreg s5  }
0xaa: {  	[dreg:$0x4] =	wrdreg $0xC0  }
0xab: {  	_ =	task [dreg:s7], $0x5FFFF  }
0xac: {  	[dreg:$0x1] =	wrdreg $0xFFFFFFFF  }
0xad: {  	[dreg:$0x0] =	wrdreg $0x60  }
0xae: {  	[dreg:$0x2] =	wrdreg s24  }
0xaf: {  	[dreg:$0x3] =	wrdreg s2  }
0xb0: {  	[dreg:$0x4] =	wrdreg $0x9  }
0xb1: {  	_ =	task.clear_ibuf [dreg:s7], $0x5FFFF;
	_ =	strace $0x90000049  }
0xb2: {  	s29 =	simm.s32 $0x9;
	_ =	strace $0x8000004B  }
0xb3: {  	_ =	swait.ge [sflag:s29], $0x1  }
0xb4: {  	[sflag:s29] =	ssyncadd.s32 $0xFFFFFFFF  }
0xb5: {  	_ =	strace $0x9000004B  }
0xb6: {  	_ =	sfence  }
0xb7: {  	s30 =	sld [smem:$0x0];
	_ =	sdelay $0x2  }
0xb8: {  	s31 =	sshll.u32 s1, $0xD;
	s1 =	sshrl.u32 s1, $0x2  }
0xb9: {  	s3 =	sand.u32 $0x4000, s31;
	s1 =	sadd.s32 s1, s30  }
0xba: {  	s0 =	sor.u32 s3, s0;
	s1 =	sshll.u32 s1, $0x11  }
0xbb: {  	s0 =	sor.u32 s1, s0  }
0xbc: {  	s0 =	sadd.s32 $0x8F2B, s0  }
0xbd: {  	[sflag:s0] =	ssyncadd.remote.s32 $0x1  }
0xbe: {  	_ =	sfence.sel $0xFFFF  }
0xbf: {  	[dreg:$0x0] =	wrdreg $0xFFFFFFFF;
	(pc) =	sbr.abs _section_cstart, $3  }
0xc0: {  	[dreg:$0x1] =	wrdreg $0xFFFFFFFF  }
0xc1: {  	_ =	task.clear_ibuf [dreg:s7], $0x2FFFF;
	_ =	strace $0x9FFFFFFF  }
0xc2: {  	(tm) =	ssettm $0x7FFFFFFF  }
0xc3: {  	_ =	shalt  }
tec
execute0_lowered:
.L_overlay_start_1:
0x0: {  	(tag) =	ssettag $0x1  }
0x1: {  	s0 =	rddreg [dreg:$0x0]  }
0x2: {  	s5 =	rddreg [dreg:$0x1];
	s3 =	srdreg.scid  }
0x3: {  	s2 =	simm.s32 $0x0;
	s1 =	stileid.u32;
	s26 =	simm.s32 $0x880  }
0x4: {  	s10 =	simm.s32 $0x1880;
	s11 =	simm.s32 $0x2080;
	s12 =	simm.s32 $0x2880  }
0x5: {  	s13 =	simm.s32 $0x3080;
	s14 =	simm.s32 $0x3880;
	s15 =	simm.s32 $0x4080  }
0x6: {  	s16 =	simm.s32 $0x4880;
	s17 =	simm.s32 $0x5080;
	s18 =	simm.s32 $0x5880  }
0x7: {  	s19 =	simm.s32 $0x6080;
	s20 =	simm.s32 $0x6880;
	s21 =	simm.s32 $0x7080  }
0x8: {  	s22 =	simm.s32 $0x7880;
	s28 =	simm.s32 $0xA080;
	s29 =	simm.s32 $0xA880  }
0x9: {  	s30 =	simm.s32 $0xB080;
	s31 =	simm.s32 $0xB880;
	s3 =	sand.u32 $0x1, s3  }
0xa: {  	[smem:$0x7FF] =	sst s2;
	s4 =	sshll.u32 s1, $0x4;
	s6 =	sshll.u32 s3, $0x3  }
0xb: {  	_ =	strace $0x8000004A;
	s23 =	ssub.s32 $0x2, s3;
	s3 =	sadd.s32 $0x4D200, s0  }
0xc: {  	[dreg:$0x5] =	wrdreg s26;
	s26 =	simm.s32 $0x9880;
	s4 =	sor.u32 s6, s4  }
0xd: {  	s8 =	sshrl.u32 s23, $0x1;
	s7 =	sadd.s32 s4, s0;
	s9 =	smul.u32 $0x300, s4  }
0xe: {  	s6 =	ssub.s32 s23, s8;
	s4 =	sadd.s32 $0x4D300, s0;
	s8 =	simm.s32 $0x80  }
0xf: {  	s23 =	simm.s32 $0x8080;
	s24 =	sadd.s32 $0x9800, s7;
	s6 =	smax.u32 s6, $0x1  }
0x10: {  	v2 =	vlaneseq.u32;
	s7 =	simm.s32 $0x2;
	[dreg:$0x3] =	wrdreg s24;
	s25 =	sadd.s32 s5, s9  }
0x11: {  	vm0 =	vmmov $0xffff;
	v1 =	vshrl.u32 v2, $0x3;
	s5 =	sadd.s32 $0x4D400, s0;
	s9 =	simm.s32 $0x1080;
	s24 =	simm.s32 $0x8880  }
0x12: {  	v0 =	vand.u32 $0x7, v2;
	v2 =	vor.u32 $0x8, v2;
	v1 =	vmul.u32 $0x8, v1;
	s0 =	simm.s32 $0x1;
	[dreg:$0x4] =	wrdreg s25;
	s25 =	simm.s32 $0x9080  }
.LBB2_1:
0x13: {  	s1 =	rddreg [dreg:$0x3]  }
0x14: {  	[tilespmem:s2], [sflag:$0x2] =	stream.linear.gather [hbm4b:s1+s2], $0x40, $0x38;
	[tilespmem:$0xC080] =	vst v63  }
0x15: {  	_ =	swait.ge [sflag:s7], $0x40  }
0x16: {  	[sflag:s7] =	ssyncset.done $0x0  }
0x17: {  	[sflag:s7] =	ssyncadd.s32 $0xFFFFFFC0  }
0x18: {  	v3 =	vld [tilespmem:$0x0];
	_ =	sdelay $0x4  }
0x19: {  	v4 =	vshrl.u32 v3, $0x3  }
0x1a: {  	v4 =	vmul.u32 $0x30, v4  }
0x1b: {  	v3 =	vand.u32 $0x7, v3  }
0x1c: {  	v3 =	vor.u32 v3, v4  }
0x1d: {  	v4 =	vperm.xlane v3, v0;
	_ =	sdelay $0x1  }
0x1e: {  	v4 =	vadd.s32 v1, v4;
	_ =	sdelay $0x3  }
0x1f: {  	v3 =	vperm.xlane v3, v2  }
0x20: {  	[tilespmem:s8], [sflag:$0x1] =	stream.indirect_vreg.gather [hbm4b:s3+s2], $0x80, v4, vm0, $0xb8;
	[tilespmem:$0xC080] =	vst v63  }
0x21: {  	s1 =	rddreg [dreg:$0x5];
	v3 =	vadd.s32 v1, v3  }
0x22: {  	[tilespmem:s1], [sflag:$0x1] =	stream.indirect_vreg.gather [hbm4b:s4+s2], $0x80, v4, vm0, $0xb8;
	[tilespmem:$0xC080] =	vst v63  }
0x23: {  	_ = 	snop  }
0x24: {  	[tilespmem:s9], [sflag:$0x1] =	stream.indirect_vreg.gather [hbm4b:s5+s2], $0x80, v4, vm0, $0xb8;
	[tilespmem:$0xC080] =	vst v63  }
0x25: {  	_ = 	snop  }
0x26: {  	[tilespmem:s10], [sflag:$0x1] =	stream.indirect_vreg.gather [hbm4b:s3+s2], $0x80, v3, vm0, $0xb8;
	[tilespmem:$0xC080] =	vst v63  }
0x27: {  	_ = 	snop  }
0x28: {  	[tilespmem:s11], [sflag:$0x1] =	stream.indirect_vreg.gather [hbm4b:s4+s2], $0x80, v3, vm0, $0xb8;
	[tilespmem:$0xC080] =	vst v63  }
0x29: {  	_ = 	snop  }
0x2a: {  	[tilespmem:s12], [sflag:$0x1] =	stream.indirect_vreg.gather [hbm4b:s5+s2], $0x80, v3, vm0, $0xb8;
	[tilespmem:$0xC080] =	vst v63  }
0x2b: {  	v3 =	vld [tilespmem:$0x10];
	_ =	sdelay $0x4  }
0x2c: {  	v61 =	vshrl.u32 v3, $0x3  }
0x2d: {  	v4 =	vmul.u32 $0x30, v61  }
0x2e: {  	v3 =	vand.u32 $0x7, v3  }
0x2f: {  	v3 =	vor.u32 v3, v4  }
0x30: {  	v4 =	vperm.xlane v3, v0;
	_ =	sdelay $0x1  }
0x31: {  	v4 =	vadd.s32 v1, v4;
	_ =	sdelay $0x3  }
0x32: {  	v3 =	vperm.xlane v3, v2  }
0x33: {  	[tilespmem:s13], [sflag:$0x1] =	stream.indirect_vreg.gather [hbm4b:s3+s2], $0x80, v4, vm0, $0xb8;
	[tilespmem:$0xC080] =	vst v63  }
0x34: {  	v3 =	vadd.s32 v1, v3  }
0x35: {  	[tilespmem:s14], [sflag:$0x1] =	stream.indirect_vreg.gather [hbm4b:s4+s2], $0x80, v4, vm0, $0xb8;
	[tilespmem:$0xC080] =	vst v63  }
0x36: {  	_ = 	snop  }
0x37: {  	[tilespmem:s15], [sflag:$0x1] =	stream.indirect_vreg.gather [hbm4b:s5+s2], $0x80, v4, vm0, $0xb8;
	[tilespmem:$0xC080] =	vst v63  }
0x38: {  	_ = 	snop  }
0x39: {  	[tilespmem:s16], [sflag:$0x1] =	stream.indirect_vreg.gather [hbm4b:s3+s2], $0x80, v3, vm0, $0xb8;
	[tilespmem:$0xC080] =	vst v63  }
0x3a: {  	_ = 	snop  }
0x3b: {  	[tilespmem:s17], [sflag:$0x1] =	stream.indirect_vreg.gather [hbm4b:s4+s2], $0x80, v3, vm0, $0xb8;
	[tilespmem:$0xC080] =	vst v63  }
0x3c: {  	_ = 	snop  }
0x3d: {  	[tilespmem:s18], [sflag:$0x1] =	stream.indirect_vreg.gather [hbm4b:s5+s2], $0x80, v3, vm0, $0xb8;
	[tilespmem:$0xC080] =	vst v63  }
0x3e: {  	v3 =	vld [tilespmem:$0x20];
	_ =	sdelay $0x4  }
0x3f: {  	v62 =	vshrl.u32 v3, $0x3  }
0x40: {  	v4 =	vmul.u32 $0x30, v62  }
0x41: {  	v3 =	vand.u32 $0x7, v3  }
0x42: {  	v3 =	vor.u32 v3, v4  }
0x43: {  	v4 =	vperm.xlane v3, v0;
	_ =	sdelay $0x1  }
0x44: {  	v4 =	vadd.s32 v1, v4;
	_ =	sdelay $0x3  }
0x45: {  	v3 =	vperm.xlane v3, v2  }
0x46: {  	[tilespmem:s19], [sflag:$0x1] =	stream.indirect_vreg.gather [hbm4b:s3+s2], $0x80, v4, vm0, $0xb8;
	[tilespmem:$0xC080] =	vst v63  }
0x47: {  	v3 =	vadd.s32 v1, v3  }
0x48: {  	[tilespmem:s20], [sflag:$0x1] =	stream.indirect_vreg.gather [hbm4b:s4+s2], $0x80, v4, vm0, $0xb8;
	[tilespmem:$0xC080] =	vst v63  }
0x49: {  	_ = 	snop  }
0x4a: {  	[tilespmem:s21], [sflag:$0x1] =	stream.indirect_vreg.gather [hbm4b:s5+s2], $0x80, v4, vm0, $0xb8;
	[tilespmem:$0xC080] =	vst v63  }
0x4b: {  	_ = 	snop  }
0x4c: {  	[tilespmem:s22], [sflag:$0x1] =	stream.indirect_vreg.gather [hbm4b:s3+s2], $0x80, v3, vm0, $0xb8;
	[tilespmem:$0xC080] =	vst v63  }
0x4d: {  	_ = 	snop  }
0x4e: {  	[tilespmem:s23], [sflag:$0x1] =	stream.indirect_vreg.gather [hbm4b:s4+s2], $0x80, v3, vm0, $0xb8;
	[tilespmem:$0xC080] =	vst v63  }
0x4f: {  	_ = 	snop  }
0x50: {  	[tilespmem:s24], [sflag:$0x1] =	stream.indirect_vreg.gather [hbm4b:s5+s2], $0x80, v3, vm0, $0xb8;
	[tilespmem:$0xC080] =	vst v63  }
0x51: {  	v3 =	vld [tilespmem:$0x30];
	_ =	sdelay $0x4  }
0x52: {  	v63 =	vshrl.u32 v3, $0x3  }
0x53: {  	v4 =	vmul.u32 $0x30, v63  }
0x54: {  	v3 =	vand.u32 $0x7, v3  }
0x55: {  	v3 =	vor.u32 v3, v4  }
0x56: {  	v4 =	vperm.xlane v3, v0;
	_ =	sdelay $0x1  }
0x57: {  	v4 =	vadd.s32 v1, v4;
	_ =	sdelay $0x3  }
0x58: {  	v3 =	vperm.xlane v3, v2  }
0x59: {  	[tilespmem:s25], [sflag:$0x1] =	stream.indirect_vreg.gather [hbm4b:s3+s2], $0x80, v4, vm0, $0xb8;
	[tilespmem:$0xC080] =	vst v63  }
0x5a: {  	v3 =	vadd.s32 v1, v3  }
0x5b: {  	[tilespmem:s26], [sflag:$0x1] =	stream.indirect_vreg.gather [hbm4b:s4+s2], $0x80, v4, vm0, $0xb8;
	[tilespmem:$0xC080] =	vst v63  }
0x5c: {  	_ = 	snop  }
0x5d: {  	[tilespmem:s28], [sflag:$0x1] =	stream.indirect_vreg.gather [hbm4b:s5+s2], $0x80, v4, vm0, $0xb8;
	[tilespmem:$0xC080] =	vst v63  }
0x5e: {  	_ = 	snop  }
0x5f: {  	[tilespmem:s29], [sflag:$0x1] =	stream.indirect_vreg.gather [hbm4b:s3+s2], $0x80, v3, vm0, $0xb8;
	[tilespmem:$0xC080] =	vst v63  }
0x60: {  	_ = 	snop  }
0x61: {  	[tilespmem:s30], [sflag:$0x1] =	stream.indirect_vreg.gather [hbm4b:s4+s2], $0x80, v3, vm0, $0xb8;
	[tilespmem:$0xC080] =	vst v63  }
0x62: {  	_ = 	snop  }
0x63: {  	[tilespmem:s31], [sflag:$0x1] =	stream.indirect_vreg.gather [hbm4b:s5+s2], $0x80, v3, vm0, $0xb8;
	[tilespmem:$0xC080] =	vst v63  }
0x64: {  	_ =	swait.ge [sflag:s0], $0xC000  }
0x65: {  	p0 =	sne.s32 s6, $0x1;
	[sflag:s0] =	ssyncset.done $0x0  }
.Ltmp0:
0x66: {  	s1 =	rddreg [dreg:$0x4];
	[sflag:s0] =	ssyncadd.s32 $0xFFFF4000;
	(pc) =	sbr.rel @p0 .LBB2_1-.Ltmp0, $4  }
0x67: {  	[hbm4b:s1+s2] =	stream.linear.scatter [tilespmem:s8], [sflag:$0x2], $0xC000, $0x38;
	[tilespmem:$0xC080] =	vst v63  }
0x68: {  	_ =	swait.ge [sflag:s7], $0xC000  }
0x69: {  	[sflag:s7] =	ssyncset.done $0x0  }
0x6a: {  	s6 =	sadd.s32 $0xFFFFFFFF, s6;
	[sflag:s7] =	ssyncadd.s32 $0xFFFF4000  }
0x6b: {  	_ =	sfence.sel $0x180000  }
0x6c: {  	[bflag:$0x0] =	sbarrier.arrive $0xFFFF  }
0x6d: {  	_ =	strace $0x9000004A  }
0x6e: {  	s0 =	stileid.u32;
	[bflag:$0x2] =	sbarrier.arrive $0xFFFF  }
0x6f: {  	p0 =	sne.s32 s0, $0x0;
	s0 =	rddreg [dreg:$0x2]  }
0x70: {  	s0 =	sadd.s32 @!p0 $0x100000, s0  }
0x71: {  	[sflag:s0] =	ssyncadd.tile.s32 @!p0 $0x1;
	_ =	shalt  }
.Lfunc_end2:
_tile_overlayer_lowered:
.L_overlay_start_2:
0x72: {  	(tag) =	ssettag $0x2  }
0x73: {  	s0 =	rddreg [dreg:$0x0];
	s2 =	stileid.u32  }
0x74: {  	s1 =	rddreg [dreg:$0x1];
	p0 =	sne.s32 s2, $0x0  }
0x75: {  	s3 =	rddreg [dreg:$0x2];
	[bflag:$0x3] =	sbarrier.arrive $0xFFFF;
	s2 =	simm.s32 @!p0 $0x1C02  }
0x76: {  	[timem:s3], [sflag:s2] =	dma.local @!p0 [hbm:s0], s1  }
0x77: {  	s0 =	simm.s32 @!p0 $0x2  }
0x78: {  	_ =	swait.ge @!p0 [sflag:s0], s1  }
0x79: {  	s1 =	ssub.s32 @!p0 $0x0, s1;
	[sflag:s0] =	ssyncset.done @!p0 $0x0  }
0x7a: {  	[sflag:s0] =	ssyncadd.s32 @!p0 s1  }
0x7b: {  	[bflag:$0x3] =	sbarrier.arrive $0xFFFF  }
0x7c: {  	_ =	shalt  }

</sc_bundles>
